<compile_context>
chip_gen: v7x
topology: tpu7x:2x2x1
jax: 0.10.2.dev20260603
libtpu: 0.0.44.dev20260713+nightly
codegen_flags: <defaults>
</compile_context>

<pallas_src>
import functools

import jax
import jax.numpy as jnp
from jax import lax
from jax.experimental import pallas as pl
from jax.experimental.pallas import tpu as pltpu
from jax.experimental.pallas import tpu_sc as plsc

HIDDEN = 768
NC = 2
NS = 16
NW = NC * NS
CH = 32
NBUF = 4
DEPTH = 3

_mesh = plsc.VectorSubcoreMesh(core_axis_name="c", subcore_axis_name="s")


def _make_gather(b: int, s: int):
  n_total = b * s
  assert n_total % NW == 0
  bpw = n_total // NW
  assert bpw % CH == 0 and s % bpw == 0
  nch = bpw // CH
  per_row = s // bpw

  @functools.partial(
      pl.kernel,
      mesh=_mesh,
      out_type=jax.ShapeDtypeStruct((NW, nch, CH, HIDDEN), jnp.float32),
      scratch_types=[
          pltpu.VMEM((bpw,), jnp.int32),
          pltpu.VMEM((NBUF, CH, HIDDEN), jnp.float32),
          *([pltpu.SemaphoreType.DMA] * (2 * NBUF)),
      ],
  )
  def gather_kernel(table_hbm, ids_hbm, out_hbm, idx_v, rows_v, *sems):
    wid = lax.axis_index("s") * NC + lax.axis_index("c")
    gsems = sems[:NBUF]
    osems = sems[NBUF:]
    pltpu.sync_copy(
        ids_hbm.at[wid // per_row, pl.ds((wid % per_row) * bpw, bpw)], idx_v)

    def g_desc(g, j):
      return pltpu.make_async_copy(
          table_hbm.at[idx_v.at[pl.ds(g * CH, CH)]], rows_v.at[j], gsems[j])

    def w_desc(g, j):
      return pltpu.make_async_copy(rows_v.at[j], out_hbm.at[wid, g], osems[j])

    for j in range(DEPTH):
      g_desc(j, j).start()

    def chunk(g, j, drain, refill):
      g_desc(g, j).wait()
      w_desc(g, j).start()
      jn = (j + DEPTH) % NBUF
      if drain:
        w_desc(g, jn).wait()
      if refill:
        g_desc(g + DEPTH, jn).start()

    for j in range(NBUF):
      chunk(j, j, drain=j >= 1, refill=True)

    def turn(t, carry):
      for j in range(NBUF):
        chunk(t * NBUF + j, j, drain=True, refill=True)
      return carry

    lax.fori_loop(1, nch // NBUF - 1, turn, 0)

    for j in range(NBUF):
      g = nch - NBUF + j
      chunk(g, j, drain=True, refill=g + DEPTH < nch)
    w_desc(nch - 1, (nch - 1) % NBUF).wait()

  return gather_kernel, nch


def kernel(input_ids, word_embeddings):
  b, s = input_ids.shape
  gather, nch = _make_gather(b, s)
  out = gather(word_embeddings, input_ids.astype(jnp.int32))
  return out.reshape(b, s, HIDDEN)

# --- scband reference (transcript-rebuilt; emitter-appended) ---
"""Pipeline reference for scband-token-embedding-51049981280982 (READ-ONLY COPY).

The authoritative reference and input builder live on the scoring server;
editing this copy changes nothing except your own understanding.
"""

import jax, jax.numpy as jnp
import numpy as np

VOCAB = 50257
HIDDEN = 768
BATCH = 4
SEQ = 8192

def setup_inputs(seed: int = 0) -> dict:
    key = jax.random.key(seed)
    k_ids, k_w = jax.random.split(key)
    input_ids = jax.random.randint(k_ids, (BATCH, SEQ), 0, VOCAB, dtype=jnp.int64 if jax.config.jax_enable_x64 else jnp.int32)
    word_embeddings = jax.random.normal(k_w, (VOCAB, HIDDEN), dtype=jnp.float32) * 0.02
    return {"input_ids": input_ids, "word_embeddings": word_embeddings}

def reference(input_ids, word_embeddings):
    # TokenEmbedding.forward: gather rows from the embedding table.
    # Dropout is identity in eval mode (dropout_rate effectively 0 at inference).
    embeddings = jnp.take(word_embeddings, input_ids, axis=0)
    return embeddings

if __name__ == "__main__":
    import jax
    _d = setup_inputs()
    print(jax.jit(kernel)(*tuple(_d.values())))

</pallas_src>

<mosaic_0001>
#map = affine_map<(d0, d1) -> (0, 0)>
#map1 = affine_map<(d0, d1) -> (0, 0, 0, 0)>
module attributes {stable_mosaic.version = 14 : i64} {
  func.func @gather_kernel(%arg0: i32, %arg1: i32, %arg2: memref<50257x768xf32, #tpu.memory_space<hbm>>, %arg3: memref<4x8192xi32, #tpu.memory_space<hbm>>, %arg4: memref<32x32x32x768xf32, #tpu.memory_space<hbm>>, %arg5: memref<1024xi32, #tpu.memory_space<vmem>>, %arg6: memref<4x32x768xf32, #tpu.memory_space<vmem>>, %arg7: memref<!tpu.dma_semaphore, #tpu.memory_space<semaphore_mem>>, %arg8: memref<!tpu.dma_semaphore, #tpu.memory_space<semaphore_mem>>, %arg9: memref<!tpu.dma_semaphore, #tpu.memory_space<semaphore_mem>>, %arg10: memref<!tpu.dma_semaphore, #tpu.memory_space<semaphore_mem>>, %arg11: memref<!tpu.dma_semaphore, #tpu.memory_space<semaphore_mem>>, %arg12: memref<!tpu.dma_semaphore, #tpu.memory_space<semaphore_mem>>, %arg13: memref<!tpu.dma_semaphore, #tpu.memory_space<semaphore_mem>>, %arg14: memref<!tpu.dma_semaphore, #tpu.memory_space<semaphore_mem>>) attributes {dimension_semantics = [#tpu.dimension_semantics<core_parallel>, #tpu.dimension_semantics<subcore_parallel>], iteration_bounds = array<i64: 2, 16>, scalar_prefetch = 0 : i64, scratch_operands = 10 : i64, tpu.core_type = #tpu.core_type<sc_vector_subcore>, window_params = [{transform_indices = #map}, {transform_indices = #map}, {transform_indices = #map1}]} {
    %mul3A = arith.constant 2 : i32
    %mul3A_0 = arith.muli %arg1, %mul3A : i32
    %add3A = arith.addi %mul3A_0, %arg0 : i32
    %jit3A = arith.constant 8 : i32
    %div3A = arith.divsi %add3A, %jit3A : i32
    %sign3A = arith.constant 0 : i32
    %sign3A_1 = arith.cmpi sgt, %add3A, %sign3A : i32
    %sign3A_2 = arith.extui %sign3A_1 : i1 to i32
    %sign3A_3 = arith.constant 0 : i32
    %sign3A_4 = arith.cmpi slt, %add3A, %sign3A_3 : i32
    %sign3A_5 = arith.extui %sign3A_4 : i1 to i32
    %sign3A_6 = arith.subi %sign3A_2, %sign3A_5 : i32
    %sign3A_7 = arith.constant 0 : i32
    %sign3A_8 = arith.cmpi sgt, %jit3A, %sign3A_7 : i32
    %sign3A_9 = arith.extui %sign3A_8 : i1 to i32
    %sign3A_10 = arith.constant 0 : i32
    %sign3A_11 = arith.cmpi slt, %jit3A, %sign3A_10 : i32
    %sign3A_12 = arith.extui %sign3A_11 : i1 to i32
    %sign3A_13 = arith.subi %sign3A_9, %sign3A_12 : i32
    %ne3A = arith.cmpi ne, %sign3A_6, %sign3A_13 : i32
    %rem3A = arith.remsi %add3A, %jit3A : i32
    %ne3A_14 = arith.constant 0 : i32
    %ne3A_15 = arith.cmpi ne, %rem3A, %ne3A_14 : i32
    %and3A = arith.andi %ne3A, %ne3A_15 : i1
    %sub3A = arith.constant 1 : i32
    %sub3A_16 = arith.subi %div3A, %sub3A : i32
    %select_n3A = arith.select %and3A, %sub3A_16, %div3A : i32
    %jit3A_17 = arith.constant 8 : i32
    %eq3A = arith.constant 0 : i32
    %eq3A_18 = arith.cmpi eq, %jit3A_17, %eq3A : i32
    %jit3A_19 = arith.constant 1 : i32
    %select_n3A_20 = arith.select %eq3A_18, %jit3A_19, %jit3A_17 : i32
    %rem3A_21 = arith.remsi %add3A, %select_n3A_20 : i32
    %ne3A_22 = arith.constant 0 : i32
    %ne3A_23 = arith.cmpi ne, %rem3A_21, %ne3A_22 : i32
    %lt3A = arith.constant 0 : i32
    %lt3A_24 = arith.cmpi slt, %rem3A_21, %lt3A : i32
    %lt3A_25 = arith.constant 0 : i32
    %lt3A_26 = arith.cmpi slt, %select_n3A_20, %lt3A_25 : i32
    %ne3A_27 = arith.xori %lt3A_24, %lt3A_26 : i1
    %and3A_28 = arith.andi %ne3A_27, %ne3A_23 : i1
    %add3A_29 = arith.addi %rem3A_21, %select_n3A_20 : i32
    %select_n3A_30 = arith.select %and3A_28, %add3A_29, %rem3A_21 : i32
    %mul3A_31 = arith.constant 1024 : i32
    %mul3A_32 = arith.muli %select_n3A_30, %mul3A_31 : i32
    "tpu.region"() ({
      %run_scoped3A = tpu.sem_alloc : memref<!tpu.dma_semaphore, #tpu.memory_space<semaphore_mem>>
      %dma_start3A_484 = tpu.memref_slice %arg3[%select_n3A, %mul3A_32] : memref<4x8192xi32, #tpu.memory_space<hbm>> -> memref<1x1024xi32, #tpu.memory_space<hbm>>
      %dma_start3A_485 = tpu.memref_squeeze %dma_start3A_484 : memref<1x1024xi32, #tpu.memory_space<hbm>> -> memref<1024xi32, #tpu.memory_space<hbm>>
      %dma_start3A_486 = tpu.memref_slice %arg3[%select_n3A, %mul3A_32] : memref<4x8192xi32, #tpu.memory_space<hbm>> -> memref<1x1024xi32, #tpu.memory_space<hbm>>
      %dma_start3A_487 = tpu.memref_squeeze %dma_start3A_486 : memref<1x1024xi32, #tpu.memory_space<hbm>> -> memref<1024xi32, #tpu.memory_space<hbm>>
      tpu.enqueue_dma source(%dma_start3A_487 : memref<1024xi32, #tpu.memory_space<hbm>>) target(%arg5 : memref<1024xi32, #tpu.memory_space<vmem>>) target_semaphore(%run_scoped3A : memref<!tpu.dma_semaphore, #tpu.memory_space<semaphore_mem>>)
      %dma_wait3A_488 = tpu.memref_slice %arg3[%select_n3A, %mul3A_32] : memref<4x8192xi32, #tpu.memory_space<hbm>> -> memref<1x1024xi32, #tpu.memory_space<hbm>>
      %dma_wait3A_489 = tpu.memref_squeeze %dma_wait3A_488 : memref<1x1024xi32, #tpu.memory_space<hbm>> -> memref<1024xi32, #tpu.memory_space<hbm>>
      %dma_wait3A_490 = tpu.memref_slice %arg3[%select_n3A, %mul3A_32] : memref<4x8192xi32, #tpu.memory_space<hbm>> -> memref<1x1024xi32, #tpu.memory_space<hbm>>
      %dma_wait3A_491 = tpu.memref_squeeze %dma_wait3A_490 : memref<1x1024xi32, #tpu.memory_space<hbm>> -> memref<1024xi32, #tpu.memory_space<hbm>>
      tpu.wait_dma2 semaphore(%run_scoped3A : memref<!tpu.dma_semaphore, #tpu.memory_space<semaphore_mem>>) src(%dma_wait3A_491 : memref<1024xi32, #tpu.memory_space<hbm>>) dst(%arg5 : memref<1024xi32, #tpu.memory_space<vmem>>)
      tpu.yield
    }) : () -> ()
    %dma_start3A = arith.constant 0 : i32
    %dma_start3A_33 = arith.constant 0 : i32
    %dma_start3A_34 = arith.constant 0 : i32
    %dma_start3A_35 = tpu.memref_slice %arg6[%dma_start3A, %dma_start3A_33, %dma_start3A_34] : memref<4x32x768xf32, #tpu.memory_space<vmem>> -> memref<1x32x768xf32, #tpu.memory_space<vmem>>
    %dma_start3A_36 = tpu.memref_squeeze %dma_start3A_35 : memref<1x32x768xf32, #tpu.memory_space<vmem>> -> memref<32x768xf32, #tpu.memory_space<vmem>>
    %dma_start3A_37 = arith.constant 0 : i32
    %dma_start3A_38 = tpu.memref_slice %arg5[%dma_start3A_37] : memref<1024xi32, #tpu.memory_space<vmem>> -> memref<32xi32, #tpu.memory_space<vmem>>
    %dma_start3A_39 = arith.constant 0 : i32
    %dma_start3A_40 = arith.constant 0 : i32
    %dma_start3A_41 = tpu.memref_slice %arg2[%dma_start3A_39, %dma_start3A_40] : memref<50257x768xf32, #tpu.memory_space<hbm>> -> memref<50257x768xf32, #tpu.memory_space<hbm>>
    tpu.enqueue_indirect_dma source(%dma_start3A_41 : memref<50257x768xf32, #tpu.memory_space<hbm>>) target(%dma_start3A_36 : memref<32x768xf32, #tpu.memory_space<vmem>>) offsets(%dma_start3A_38 : memref<32xi32, #tpu.memory_space<vmem>>) semaphore(%arg7 : memref<!tpu.dma_semaphore, #tpu.memory_space<semaphore_mem>>)
    %dma_start3A_42 = arith.constant 1 : i32
    %dma_start3A_43 = arith.constant 0 : i32
    %dma_start3A_44 = arith.constant 0 : i32
    %dma_start3A_45 = tpu.memref_slice %arg6[%dma_start3A_42, %dma_start3A_43, %dma_start3A_44] : memref<4x32x768xf32, #tpu.memory_space<vmem>> -> memref<1x32x768xf32, #tpu.memory_space<vmem>>
    %dma_start3A_46 = tpu.memref_squeeze %dma_start3A_45 : memref<1x32x768xf32, #tpu.memory_space<vmem>> -> memref<32x768xf32, #tpu.memory_space<vmem>>
    %dma_start3A_47 = arith.constant 32 : i32
    %dma_start3A_48 = tpu.memref_slice %arg5[%dma_start3A_47] : memref<1024xi32, #tpu.memory_space<vmem>> -> memref<32xi32, #tpu.memory_space<vmem>>
    %dma_start3A_49 = arith.constant 0 : i32
    %dma_start3A_50 = arith.constant 0 : i32
    %dma_start3A_51 = tpu.memref_slice %arg2[%dma_start3A_49, %dma_start3A_50] : memref<50257x768xf32, #tpu.memory_space<hbm>> -> memref<50257x768xf32, #tpu.memory_space<hbm>>
    tpu.enqueue_indirect_dma source(%dma_start3A_51 : memref<50257x768xf32, #tpu.memory_space<hbm>>) target(%dma_start3A_46 : memref<32x768xf32, #tpu.memory_space<vmem>>) offsets(%dma_start3A_48 : memref<32xi32, #tpu.memory_space<vmem>>) semaphore(%arg8 : memref<!tpu.dma_semaphore, #tpu.memory_space<semaphore_mem>>)
    %dma_start3A_52 = arith.constant 2 : i32
    %dma_start3A_53 = arith.constant 0 : i32
    %dma_start3A_54 = arith.constant 0 : i32
    %dma_start3A_55 = tpu.memref_slice %arg6[%dma_start3A_52, %dma_start3A_53, %dma_start3A_54] : memref<4x32x768xf32, #tpu.memory_space<vmem>> -> memref<1x32x768xf32, #tpu.memory_space<vmem>>
    %dma_start3A_56 = tpu.memref_squeeze %dma_start3A_55 : memref<1x32x768xf32, #tpu.memory_space<vmem>> -> memref<32x768xf32, #tpu.memory_space<vmem>>
    %dma_start3A_57 = arith.constant 64 : i32
    %dma_start3A_58 = tpu.memref_slice %arg5[%dma_start3A_57] : memref<1024xi32, #tpu.memory_space<vmem>> -> memref<32xi32, #tpu.memory_space<vmem>>
    %dma_start3A_59 = arith.constant 0 : i32
    %dma_start3A_60 = arith.constant 0 : i32
    %dma_start3A_61 = tpu.memref_slice %arg2[%dma_start3A_59, %dma_start3A_60] : memref<50257x768xf32, #tpu.memory_space<hbm>> -> memref<50257x768xf32, #tpu.memory_space<hbm>>
    tpu.enqueue_indirect_dma source(%dma_start3A_61 : memref<50257x768xf32, #tpu.memory_space<hbm>>) target(%dma_start3A_56 : memref<32x768xf32, #tpu.memory_space<vmem>>) offsets(%dma_start3A_58 : memref<32xi32, #tpu.memory_space<vmem>>) semaphore(%arg9 : memref<!tpu.dma_semaphore, #tpu.memory_space<semaphore_mem>>)
    %dma_wait3A = arith.constant 0 : i32
    %dma_wait3A_62 = arith.constant 0 : i32
    %dma_wait3A_63 = arith.constant 0 : i32
    %dma_wait3A_64 = tpu.memref_slice %arg6[%dma_wait3A, %dma_wait3A_62, %dma_wait3A_63] : memref<4x32x768xf32, #tpu.memory_space<vmem>> -> memref<1x32x768xf32, #tpu.memory_space<vmem>>
    %dma_wait3A_65 = tpu.memref_squeeze %dma_wait3A_64 : memref<1x32x768xf32, #tpu.memory_space<vmem>> -> memref<32x768xf32, #tpu.memory_space<vmem>>
    %dma_wait3A_66 = arith.constant 0 : i32
    %dma_wait3A_67 = tpu.memref_slice %arg5[%dma_wait3A_66] : memref<1024xi32, #tpu.memory_space<vmem>> -> memref<32xi32, #tpu.memory_space<vmem>>
    %dma_wait3A_68 = arith.constant 0 : i32
    %dma_wait3A_69 = arith.constant 0 : i32
    %dma_wait3A_70 = tpu.memref_slice %arg2[%dma_wait3A_68, %dma_wait3A_69] : memref<50257x768xf32, #tpu.memory_space<hbm>> -> memref<50257x768xf32, #tpu.memory_space<hbm>>
    tpu.wait_indirect_dma semaphore(%arg7 : memref<!tpu.dma_semaphore, #tpu.memory_space<semaphore_mem>>) src(%dma_wait3A_70 : memref<50257x768xf32, #tpu.memory_space<hbm>>) dst(%dma_wait3A_65 : memref<32x768xf32, #tpu.memory_space<vmem>>)
    %dma_start3A_71 = arith.constant 0 : i32
    %dma_start3A_72 = arith.constant 0 : i32
    %dma_start3A_73 = arith.constant 0 : i32
    %dma_start3A_74 = arith.constant 0 : i32
    %dma_start3A_75 = tpu.memref_slice %arg6[%dma_start3A_71, %dma_start3A_73, %dma_start3A_74] : memref<4x32x768xf32, #tpu.memory_space<vmem>> -> memref<1x32x768xf32, #tpu.memory_space<vmem>>
    %dma_start3A_76 = tpu.memref_squeeze %dma_start3A_75 : memref<1x32x768xf32, #tpu.memory_space<vmem>> -> memref<32x768xf32, #tpu.memory_space<vmem>>
    %dma_start3A_77 = arith.constant 0 : i32
    %dma_start3A_78 = arith.constant 0 : i32
    %dma_start3A_79 = tpu.memref_slice %arg4[%add3A, %dma_start3A_72, %dma_start3A_77, %dma_start3A_78] : memref<32x32x32x768xf32, #tpu.memory_space<hbm>> -> memref<1x1x32x768xf32, #tpu.memory_space<hbm>>
    %dma_start3A_80 = tpu.memref_squeeze %dma_start3A_79 : memref<1x1x32x768xf32, #tpu.memory_space<hbm>> -> memref<32x768xf32, #tpu.memory_space<hbm>>
    %dma_start3A_81 = arith.constant 0 : i32
    %dma_start3A_82 = arith.constant 0 : i32
    %dma_start3A_83 = tpu.memref_slice %arg4[%add3A, %dma_start3A_72, %dma_start3A_81, %dma_start3A_82] : memref<32x32x32x768xf32, #tpu.memory_space<hbm>> -> memref<1x1x32x768xf32, #tpu.memory_space<hbm>>
    %dma_start3A_84 = tpu.memref_squeeze %dma_start3A_83 : memref<1x1x32x768xf32, #tpu.memory_space<hbm>> -> memref<32x768xf32, #tpu.memory_space<hbm>>
    %dma_start3A_85 = arith.constant 0 : i32
    %dma_start3A_86 = arith.constant 0 : i32
    %dma_start3A_87 = tpu.memref_slice %arg6[%dma_start3A_71, %dma_start3A_85, %dma_start3A_86] : memref<4x32x768xf32, #tpu.memory_space<vmem>> -> memref<1x32x768xf32, #tpu.memory_space<vmem>>
    %dma_start3A_88 = tpu.memref_squeeze %dma_start3A_87 : memref<1x32x768xf32, #tpu.memory_space<vmem>> -> memref<32x768xf32, #tpu.memory_space<vmem>>
    tpu.enqueue_dma source(%dma_start3A_88 : memref<32x768xf32, #tpu.memory_space<vmem>>) target(%dma_start3A_84 : memref<32x768xf32, #tpu.memory_space<hbm>>) target_semaphore(%arg11 : memref<!tpu.dma_semaphore, #tpu.memory_space<semaphore_mem>>)
    %dma_start3A_89 = arith.constant 3 : i32
    %dma_start3A_90 = arith.constant 0 : i32
    %dma_start3A_91 = arith.constant 0 : i32
    %dma_start3A_92 = tpu.memref_slice %arg6[%dma_start3A_89, %dma_start3A_90, %dma_start3A_91] : memref<4x32x768xf32, #tpu.memory_space<vmem>> -> memref<1x32x768xf32, #tpu.memory_space<vmem>>
    %dma_start3A_93 = tpu.memref_squeeze %dma_start3A_92 : memref<1x32x768xf32, #tpu.memory_space<vmem>> -> memref<32x768xf32, #tpu.memory_space<vmem>>
    %dma_start3A_94 = arith.constant 96 : i32
    %dma_start3A_95 = tpu.memref_slice %arg5[%dma_start3A_94] : memref<1024xi32, #tpu.memory_space<vmem>> -> memref<32xi32, #tpu.memory_space<vmem>>
    %dma_start3A_96 = arith.constant 0 : i32
    %dma_start3A_97 = arith.constant 0 : i32
    %dma_start3A_98 = tpu.memref_slice %arg2[%dma_start3A_96, %dma_start3A_97] : memref<50257x768xf32, #tpu.memory_space<hbm>> -> memref<50257x768xf32, #tpu.memory_space<hbm>>
    tpu.enqueue_indirect_dma source(%dma_start3A_98 : memref<50257x768xf32, #tpu.memory_space<hbm>>) target(%dma_start3A_93 : memref<32x768xf32, #tpu.memory_space<vmem>>) offsets(%dma_start3A_95 : memref<32xi32, #tpu.memory_space<vmem>>) semaphore(%arg10 : memref<!tpu.dma_semaphore, #tpu.memory_space<semaphore_mem>>)
    %dma_wait3A_99 = arith.constant 1 : i32
    %dma_wait3A_100 = arith.constant 0 : i32
    %dma_wait3A_101 = arith.constant 0 : i32
    %dma_wait3A_102 = tpu.memref_slice %arg6[%dma_wait3A_99, %dma_wait3A_100, %dma_wait3A_101] : memref<4x32x768xf32, #tpu.memory_space<vmem>> -> memref<1x32x768xf32, #tpu.memory_space<vmem>>
    %dma_wait3A_103 = tpu.memref_squeeze %dma_wait3A_102 : memref<1x32x768xf32, #tpu.memory_space<vmem>> -> memref<32x768xf32, #tpu.memory_space<vmem>>
    %dma_wait3A_104 = arith.constant 32 : i32
    %dma_wait3A_105 = tpu.memref_slice %arg5[%dma_wait3A_104] : memref<1024xi32, #tpu.memory_space<vmem>> -> memref<32xi32, #tpu.memory_space<vmem>>
    %dma_wait3A_106 = arith.constant 0 : i32
    %dma_wait3A_107 = arith.constant 0 : i32
    %dma_wait3A_108 = tpu.memref_slice %arg2[%dma_wait3A_106, %dma_wait3A_107] : memref<50257x768xf32, #tpu.memory_space<hbm>> -> memref<50257x768xf32, #tpu.memory_space<hbm>>
    tpu.wait_indirect_dma semaphore(%arg8 : memref<!tpu.dma_semaphore, #tpu.memory_space<semaphore_mem>>) src(%dma_wait3A_108 : memref<50257x768xf32, #tpu.memory_space<hbm>>) dst(%dma_wait3A_103 : memref<32x768xf32, #tpu.memory_space<vmem>>)
    %dma_start3A_109 = arith.constant 1 : i32
    %dma_start3A_110 = arith.constant 1 : i32
    %dma_start3A_111 = arith.constant 0 : i32
    %dma_start3A_112 = arith.constant 0 : i32
    %dma_start3A_113 = tpu.memref_slice %arg6[%dma_start3A_109, %dma_start3A_111, %dma_start3A_112] : memref<4x32x768xf32, #tpu.memory_space<vmem>> -> memref<1x32x768xf32, #tpu.memory_space<vmem>>
    %dma_start3A_114 = tpu.memref_squeeze %dma_start3A_113 : memref<1x32x768xf32, #tpu.memory_space<vmem>> -> memref<32x768xf32, #tpu.memory_space<vmem>>
    %dma_start3A_115 = arith.constant 0 : i32
    %dma_start3A_116 = arith.constant 0 : i32
    %dma_start3A_117 = tpu.memref_slice %arg4[%add3A, %dma_start3A_110, %dma_start3A_115, %dma_start3A_116] : memref<32x32x32x768xf32, #tpu.memory_space<hbm>> -> memref<1x1x32x768xf32, #tpu.memory_space<hbm>>
    %dma_start3A_118 = tpu.memref_squeeze %dma_start3A_117 : memref<1x1x32x768xf32, #tpu.memory_space<hbm>> -> memref<32x768xf32, #tpu.memory_space<hbm>>
    %dma_start3A_119 = arith.constant 0 : i32
    %dma_start3A_120 = arith.constant 0 : i32
    %dma_start3A_121 = tpu.memref_slice %arg4[%add3A, %dma_start3A_110, %dma_start3A_119, %dma_start3A_120] : memref<32x32x32x768xf32, #tpu.memory_space<hbm>> -> memref<1x1x32x768xf32, #tpu.memory_space<hbm>>
    %dma_start3A_122 = tpu.memref_squeeze %dma_start3A_121 : memref<1x1x32x768xf32, #tpu.memory_space<hbm>> -> memref<32x768xf32, #tpu.memory_space<hbm>>
    %dma_start3A_123 = arith.constant 0 : i32
    %dma_start3A_124 = arith.constant 0 : i32
    %dma_start3A_125 = tpu.memref_slice %arg6[%dma_start3A_109, %dma_start3A_123, %dma_start3A_124] : memref<4x32x768xf32, #tpu.memory_space<vmem>> -> memref<1x32x768xf32, #tpu.memory_space<vmem>>
    %dma_start3A_126 = tpu.memref_squeeze %dma_start3A_125 : memref<1x32x768xf32, #tpu.memory_space<vmem>> -> memref<32x768xf32, #tpu.memory_space<vmem>>
    tpu.enqueue_dma source(%dma_start3A_126 : memref<32x768xf32, #tpu.memory_space<vmem>>) target(%dma_start3A_122 : memref<32x768xf32, #tpu.memory_space<hbm>>) target_semaphore(%arg12 : memref<!tpu.dma_semaphore, #tpu.memory_space<semaphore_mem>>)
    %dma_wait3A_127 = arith.constant 0 : i32
    %dma_wait3A_128 = arith.constant 1 : i32
    %dma_wait3A_129 = arith.constant 0 : i32
    %dma_wait3A_130 = arith.constant 0 : i32
    %dma_wait3A_131 = tpu.memref_slice %arg6[%dma_wait3A_127, %dma_wait3A_129, %dma_wait3A_130] : memref<4x32x768xf32, #tpu.memory_space<vmem>> -> memref<1x32x768xf32, #tpu.memory_space<vmem>>
    %dma_wait3A_132 = tpu.memref_squeeze %dma_wait3A_131 : memref<1x32x768xf32, #tpu.memory_space<vmem>> -> memref<32x768xf32, #tpu.memory_space<vmem>>
    %dma_wait3A_133 = arith.constant 0 : i32
    %dma_wait3A_134 = arith.constant 0 : i32
    %dma_wait3A_135 = tpu.memref_slice %arg4[%add3A, %dma_wait3A_128, %dma_wait3A_133, %dma_wait3A_134] : memref<32x32x32x768xf32, #tpu.memory_space<hbm>> -> memref<1x1x32x768xf32, #tpu.memory_space<hbm>>
    %dma_wait3A_136 = tpu.memref_squeeze %dma_wait3A_135 : memref<1x1x32x768xf32, #tpu.memory_space<hbm>> -> memref<32x768xf32, #tpu.memory_space<hbm>>
    %dma_wait3A_137 = arith.constant 0 : i32
    %dma_wait3A_138 = arith.constant 0 : i32
    %dma_wait3A_139 = tpu.memref_slice %arg4[%add3A, %dma_wait3A_128, %dma_wait3A_137, %dma_wait3A_138] : memref<32x32x32x768xf32, #tpu.memory_space<hbm>> -> memref<1x1x32x768xf32, #tpu.memory_space<hbm>>
    %dma_wait3A_140 = tpu.memref_squeeze %dma_wait3A_139 : memref<1x1x32x768xf32, #tpu.memory_space<hbm>> -> memref<32x768xf32, #tpu.memory_space<hbm>>
    %dma_wait3A_141 = arith.constant 0 : i32
    %dma_wait3A_142 = arith.constant 0 : i32
    %dma_wait3A_143 = tpu.memref_slice %arg6[%dma_wait3A_127, %dma_wait3A_141, %dma_wait3A_142] : memref<4x32x768xf32, #tpu.memory_space<vmem>> -> memref<1x32x768xf32, #tpu.memory_space<vmem>>
    %dma_wait3A_144 = tpu.memref_squeeze %dma_wait3A_143 : memref<1x32x768xf32, #tpu.memory_space<vmem>> -> memref<32x768xf32, #tpu.memory_space<vmem>>
    tpu.wait_dma2 semaphore(%arg11 : memref<!tpu.dma_semaphore, #tpu.memory_space<semaphore_mem>>) src(%dma_wait3A_144 : memref<32x768xf32, #tpu.memory_space<vmem>>) dst(%dma_wait3A_140 : memref<32x768xf32, #tpu.memory_space<hbm>>)
    %dma_start3A_145 = arith.constant 0 : i32
    %dma_start3A_146 = arith.constant 0 : i32
    %dma_start3A_147 = arith.constant 0 : i32
    %dma_start3A_148 = tpu.memref_slice %arg6[%dma_start3A_145, %dma_start3A_146, %dma_start3A_147] : memref<4x32x768xf32, #tpu.memory_space<vmem>> -> memref<1x32x768xf32, #tpu.memory_space<vmem>>
    %dma_start3A_149 = tpu.memref_squeeze %dma_start3A_148 : memref<1x32x768xf32, #tpu.memory_space<vmem>> -> memref<32x768xf32, #tpu.memory_space<vmem>>
    %dma_start3A_150 = arith.constant 128 : i32
    %dma_start3A_151 = tpu.memref_slice %arg5[%dma_start3A_150] : memref<1024xi32, #tpu.memory_space<vmem>> -> memref<32xi32, #tpu.memory_space<vmem>>
    %dma_start3A_152 = arith.constant 0 : i32
    %dma_start3A_153 = arith.constant 0 : i32
    %dma_start3A_154 = tpu.memref_slice %arg2[%dma_start3A_152, %dma_start3A_153] : memref<50257x768xf32, #tpu.memory_space<hbm>> -> memref<50257x768xf32, #tpu.memory_space<hbm>>
    tpu.enqueue_indirect_dma source(%dma_start3A_154 : memref<50257x768xf32, #tpu.memory_space<hbm>>) target(%dma_start3A_149 : memref<32x768xf32, #tpu.memory_space<vmem>>) offsets(%dma_start3A_151 : memref<32xi32, #tpu.memory_space<vmem>>) semaphore(%arg7 : memref<!tpu.dma_semaphore, #tpu.memory_space<semaphore_mem>>)
    %dma_wait3A_155 = arith.constant 2 : i32
    %dma_wait3A_156 = arith.constant 0 : i32
    %dma_wait3A_157 = arith.constant 0 : i32
    %dma_wait3A_158 = tpu.memref_slice %arg6[%dma_wait3A_155, %dma_wait3A_156, %dma_wait3A_157] : memref<4x32x768xf32, #tpu.memory_space<vmem>> -> memref<1x32x768xf32, #tpu.memory_space<vmem>>
    %dma_wait3A_159 = tpu.memref_squeeze %dma_wait3A_158 : memref<1x32x768xf32, #tpu.memory_space<vmem>> -> memref<32x768xf32, #tpu.memory_space<vmem>>
    %dma_wait3A_160 = arith.constant 64 : i32
    %dma_wait3A_161 = tpu.memref_slice %arg5[%dma_wait3A_160] : memref<1024xi32, #tpu.memory_space<vmem>> -> memref<32xi32, #tpu.memory_space<vmem>>
    %dma_wait3A_162 = arith.constant 0 : i32
    %dma_wait3A_163 = arith.constant 0 : i32
    %dma_wait3A_164 = tpu.memref_slice %arg2[%dma_wait3A_162, %dma_wait3A_163] : memref<50257x768xf32, #tpu.memory_space<hbm>> -> memref<50257x768xf32, #tpu.memory_space<hbm>>
    tpu.wait_indirect_dma semaphore(%arg9 : memref<!tpu.dma_semaphore, #tpu.memory_space<semaphore_mem>>) src(%dma_wait3A_164 : memref<50257x768xf32, #tpu.memory_space<hbm>>) dst(%dma_wait3A_159 : memref<32x768xf32, #tpu.memory_space<vmem>>)
    %dma_start3A_165 = arith.constant 2 : i32
    %dma_start3A_166 = arith.constant 2 : i32
    %dma_start3A_167 = arith.constant 0 : i32
    %dma_start3A_168 = arith.constant 0 : i32
    %dma_start3A_169 = tpu.memref_slice %arg6[%dma_start3A_165, %dma_start3A_167, %dma_start3A_168] : memref<4x32x768xf32, #tpu.memory_space<vmem>> -> memref<1x32x768xf32, #tpu.memory_space<vmem>>
    %dma_start3A_170 = tpu.memref_squeeze %dma_start3A_169 : memref<1x32x768xf32, #tpu.memory_space<vmem>> -> memref<32x768xf32, #tpu.memory_space<vmem>>
    %dma_start3A_171 = arith.constant 0 : i32
    %dma_start3A_172 = arith.constant 0 : i32
    %dma_start3A_173 = tpu.memref_slice %arg4[%add3A, %dma_start3A_166, %dma_start3A_171, %dma_start3A_172] : memref<32x32x32x768xf32, #tpu.memory_space<hbm>> -> memref<1x1x32x768xf32, #tpu.memory_space<hbm>>
    %dma_start3A_174 = tpu.memref_squeeze %dma_start3A_173 : memref<1x1x32x768xf32, #tpu.memory_space<hbm>> -> memref<32x768xf32, #tpu.memory_space<hbm>>
    %dma_start3A_175 = arith.constant 0 : i32
    %dma_start3A_176 = arith.constant 0 : i32
    %dma_start3A_177 = tpu.memref_slice %arg4[%add3A, %dma_start3A_166, %dma_start3A_175, %dma_start3A_176] : memref<32x32x32x768xf32, #tpu.memory_space<hbm>> -> memref<1x1x32x768xf32, #tpu.memory_space<hbm>>
    %dma_start3A_178 = tpu.memref_squeeze %dma_start3A_177 : memref<1x1x32x768xf32, #tpu.memory_space<hbm>> -> memref<32x768xf32, #tpu.memory_space<hbm>>
    %dma_start3A_179 = arith.constant 0 : i32
    %dma_start3A_180 = arith.constant 0 : i32
    %dma_start3A_181 = tpu.memref_slice %arg6[%dma_start3A_165, %dma_start3A_179, %dma_start3A_180] : memref<4x32x768xf32, #tpu.memory_space<vmem>> -> memref<1x32x768xf32, #tpu.memory_space<vmem>>
    %dma_start3A_182 = tpu.memref_squeeze %dma_start3A_181 : memref<1x32x768xf32, #tpu.memory_space<vmem>> -> memref<32x768xf32, #tpu.memory_space<vmem>>
    tpu.enqueue_dma source(%dma_start3A_182 : memref<32x768xf32, #tpu.memory_space<vmem>>) target(%dma_start3A_178 : memref<32x768xf32, #tpu.memory_space<hbm>>) target_semaphore(%arg13 : memref<!tpu.dma_semaphore, #tpu.memory_space<semaphore_mem>>)
    %dma_wait3A_183 = arith.constant 1 : i32
    %dma_wait3A_184 = arith.constant 2 : i32
    %dma_wait3A_185 = arith.constant 0 : i32
    %dma_wait3A_186 = arith.constant 0 : i32
    %dma_wait3A_187 = tpu.memref_slice %arg6[%dma_wait3A_183, %dma_wait3A_185, %dma_wait3A_186] : memref<4x32x768xf32, #tpu.memory_space<vmem>> -> memref<1x32x768xf32, #tpu.memory_space<vmem>>
    %dma_wait3A_188 = tpu.memref_squeeze %dma_wait3A_187 : memref<1x32x768xf32, #tpu.memory_space<vmem>> -> memref<32x768xf32, #tpu.memory_space<vmem>>
    %dma_wait3A_189 = arith.constant 0 : i32
    %dma_wait3A_190 = arith.constant 0 : i32
    %dma_wait3A_191 = tpu.memref_slice %arg4[%add3A, %dma_wait3A_184, %dma_wait3A_189, %dma_wait3A_190] : memref<32x32x32x768xf32, #tpu.memory_space<hbm>> -> memref<1x1x32x768xf32, #tpu.memory_space<hbm>>
    %dma_wait3A_192 = tpu.memref_squeeze %dma_wait3A_191 : memref<1x1x32x768xf32, #tpu.memory_space<hbm>> -> memref<32x768xf32, #tpu.memory_space<hbm>>
    %dma_wait3A_193 = arith.constant 0 : i32
    %dma_wait3A_194 = arith.constant 0 : i32
    %dma_wait3A_195 = tpu.memref_slice %arg4[%add3A, %dma_wait3A_184, %dma_wait3A_193, %dma_wait3A_194] : memref<32x32x32x768xf32, #tpu.memory_space<hbm>> -> memref<1x1x32x768xf32, #tpu.memory_space<hbm>>
    %dma_wait3A_196 = tpu.memref_squeeze %dma_wait3A_195 : memref<1x1x32x768xf32, #tpu.memory_space<hbm>> -> memref<32x768xf32, #tpu.memory_space<hbm>>
    %dma_wait3A_197 = arith.constant 0 : i32
    %dma_wait3A_198 = arith.constant 0 : i32
    %dma_wait3A_199 = tpu.memref_slice %arg6[%dma_wait3A_183, %dma_wait3A_197, %dma_wait3A_198] : memref<4x32x768xf32, #tpu.memory_space<vmem>> -> memref<1x32x768xf32, #tpu.memory_space<vmem>>
    %dma_wait3A_200 = tpu.memref_squeeze %dma_wait3A_199 : memref<1x32x768xf32, #tpu.memory_space<vmem>> -> memref<32x768xf32, #tpu.memory_space<vmem>>
    tpu.wait_dma2 semaphore(%arg12 : memref<!tpu.dma_semaphore, #tpu.memory_space<semaphore_mem>>) src(%dma_wait3A_200 : memref<32x768xf32, #tpu.memory_space<vmem>>) dst(%dma_wait3A_196 : memref<32x768xf32, #tpu.memory_space<hbm>>)
    %dma_start3A_201 = arith.constant 1 : i32
    %dma_start3A_202 = arith.constant 0 : i32
    %dma_start3A_203 = arith.constant 0 : i32
    %dma_start3A_204 = tpu.memref_slice %arg6[%dma_start3A_201, %dma_start3A_202, %dma_start3A_203] : memref<4x32x768xf32, #tpu.memory_space<vmem>> -> memref<1x32x768xf32, #tpu.memory_space<vmem>>
    %dma_start3A_205 = tpu.memref_squeeze %dma_start3A_204 : memref<1x32x768xf32, #tpu.memory_space<vmem>> -> memref<32x768xf32, #tpu.memory_space<vmem>>
    %dma_start3A_206 = arith.constant 160 : i32
    %dma_start3A_207 = tpu.memref_slice %arg5[%dma_start3A_206] : memref<1024xi32, #tpu.memory_space<vmem>> -> memref<32xi32, #tpu.memory_space<vmem>>
    %dma_start3A_208 = arith.constant 0 : i32
    %dma_start3A_209 = arith.constant 0 : i32
    %dma_start3A_210 = tpu.memref_slice %arg2[%dma_start3A_208, %dma_start3A_209] : memref<50257x768xf32, #tpu.memory_space<hbm>> -> memref<50257x768xf32, #tpu.memory_space<hbm>>
    tpu.enqueue_indirect_dma source(%dma_start3A_210 : memref<50257x768xf32, #tpu.memory_space<hbm>>) target(%dma_start3A_205 : memref<32x768xf32, #tpu.memory_space<vmem>>) offsets(%dma_start3A_207 : memref<32xi32, #tpu.memory_space<vmem>>) semaphore(%arg8 : memref<!tpu.dma_semaphore, #tpu.memory_space<semaphore_mem>>)
    %dma_wait3A_211 = arith.constant 3 : i32
    %dma_wait3A_212 = arith.constant 0 : i32
    %dma_wait3A_213 = arith.constant 0 : i32
    %dma_wait3A_214 = tpu.memref_slice %arg6[%dma_wait3A_211, %dma_wait3A_212, %dma_wait3A_213] : memref<4x32x768xf32, #tpu.memory_space<vmem>> -> memref<1x32x768xf32, #tpu.memory_space<vmem>>
    %dma_wait3A_215 = tpu.memref_squeeze %dma_wait3A_214 : memref<1x32x768xf32, #tpu.memory_space<vmem>> -> memref<32x768xf32, #tpu.memory_space<vmem>>
    %dma_wait3A_216 = arith.constant 96 : i32
    %dma_wait3A_217 = tpu.memref_slice %arg5[%dma_wait3A_216] : memref<1024xi32, #tpu.memory_space<vmem>> -> memref<32xi32, #tpu.memory_space<vmem>>
    %dma_wait3A_218 = arith.constant 0 : i32
    %dma_wait3A_219 = arith.constant 0 : i32
    %dma_wait3A_220 = tpu.memref_slice %arg2[%dma_wait3A_218, %dma_wait3A_219] : memref<50257x768xf32, #tpu.memory_space<hbm>> -> memref<50257x768xf32, #tpu.memory_space<hbm>>
    tpu.wait_indirect_dma semaphore(%arg10 : memref<!tpu.dma_semaphore, #tpu.memory_space<semaphore_mem>>) src(%dma_wait3A_220 : memref<50257x768xf32, #tpu.memory_space<hbm>>) dst(%dma_wait3A_215 : memref<32x768xf32, #tpu.memory_space<vmem>>)
    %dma_start3A_221 = arith.constant 3 : i32
    %dma_start3A_222 = arith.constant 3 : i32
    %dma_start3A_223 = arith.constant 0 : i32
    %dma_start3A_224 = arith.constant 0 : i32
    %dma_start3A_225 = tpu.memref_slice %arg6[%dma_start3A_221, %dma_start3A_223, %dma_start3A_224] : memref<4x32x768xf32, #tpu.memory_space<vmem>> -> memref<1x32x768xf32, #tpu.memory_space<vmem>>
    %dma_start3A_226 = tpu.memref_squeeze %dma_start3A_225 : memref<1x32x768xf32, #tpu.memory_space<vmem>> -> memref<32x768xf32, #tpu.memory_space<vmem>>
    %dma_start3A_227 = arith.constant 0 : i32
    %dma_start3A_228 = arith.constant 0 : i32
    %dma_start3A_229 = tpu.memref_slice %arg4[%add3A, %dma_start3A_222, %dma_start3A_227, %dma_start3A_228] : memref<32x32x32x768xf32, #tpu.memory_space<hbm>> -> memref<1x1x32x768xf32, #tpu.memory_space<hbm>>
    %dma_start3A_230 = tpu.memref_squeeze %dma_start3A_229 : memref<1x1x32x768xf32, #tpu.memory_space<hbm>> -> memref<32x768xf32, #tpu.memory_space<hbm>>
    %dma_start3A_231 = arith.constant 0 : i32
    %dma_start3A_232 = arith.constant 0 : i32
    %dma_start3A_233 = tpu.memref_slice %arg4[%add3A, %dma_start3A_222, %dma_start3A_231, %dma_start3A_232] : memref<32x32x32x768xf32, #tpu.memory_space<hbm>> -> memref<1x1x32x768xf32, #tpu.memory_space<hbm>>
    %dma_start3A_234 = tpu.memref_squeeze %dma_start3A_233 : memref<1x1x32x768xf32, #tpu.memory_space<hbm>> -> memref<32x768xf32, #tpu.memory_space<hbm>>
    %dma_start3A_235 = arith.constant 0 : i32
    %dma_start3A_236 = arith.constant 0 : i32
    %dma_start3A_237 = tpu.memref_slice %arg6[%dma_start3A_221, %dma_start3A_235, %dma_start3A_236] : memref<4x32x768xf32, #tpu.memory_space<vmem>> -> memref<1x32x768xf32, #tpu.memory_space<vmem>>
    %dma_start3A_238 = tpu.memref_squeeze %dma_start3A_237 : memref<1x32x768xf32, #tpu.memory_space<vmem>> -> memref<32x768xf32, #tpu.memory_space<vmem>>
    tpu.enqueue_dma source(%dma_start3A_238 : memref<32x768xf32, #tpu.memory_space<vmem>>) target(%dma_start3A_234 : memref<32x768xf32, #tpu.memory_space<hbm>>) target_semaphore(%arg14 : memref<!tpu.dma_semaphore, #tpu.memory_space<semaphore_mem>>)
    %dma_wait3A_239 = arith.constant 2 : i32
    %dma_wait3A_240 = arith.constant 3 : i32
    %dma_wait3A_241 = arith.constant 0 : i32
    %dma_wait3A_242 = arith.constant 0 : i32
    %dma_wait3A_243 = tpu.memref_slice %arg6[%dma_wait3A_239, %dma_wait3A_241, %dma_wait3A_242] : memref<4x32x768xf32, #tpu.memory_space<vmem>> -> memref<1x32x768xf32, #tpu.memory_space<vmem>>
    %dma_wait3A_244 = tpu.memref_squeeze %dma_wait3A_243 : memref<1x32x768xf32, #tpu.memory_space<vmem>> -> memref<32x768xf32, #tpu.memory_space<vmem>>
    %dma_wait3A_245 = arith.constant 0 : i32
    %dma_wait3A_246 = arith.constant 0 : i32
    %dma_wait3A_247 = tpu.memref_slice %arg4[%add3A, %dma_wait3A_240, %dma_wait3A_245, %dma_wait3A_246] : memref<32x32x32x768xf32, #tpu.memory_space<hbm>> -> memref<1x1x32x768xf32, #tpu.memory_space<hbm>>
    %dma_wait3A_248 = tpu.memref_squeeze %dma_wait3A_247 : memref<1x1x32x768xf32, #tpu.memory_space<hbm>> -> memref<32x768xf32, #tpu.memory_space<hbm>>
    %dma_wait3A_249 = arith.constant 0 : i32
    %dma_wait3A_250 = arith.constant 0 : i32
    %dma_wait3A_251 = tpu.memref_slice %arg4[%add3A, %dma_wait3A_240, %dma_wait3A_249, %dma_wait3A_250] : memref<32x32x32x768xf32, #tpu.memory_space<hbm>> -> memref<1x1x32x768xf32, #tpu.memory_space<hbm>>
    %dma_wait3A_252 = tpu.memref_squeeze %dma_wait3A_251 : memref<1x1x32x768xf32, #tpu.memory_space<hbm>> -> memref<32x768xf32, #tpu.memory_space<hbm>>
    %dma_wait3A_253 = arith.constant 0 : i32
    %dma_wait3A_254 = arith.constant 0 : i32
    %dma_wait3A_255 = tpu.memref_slice %arg6[%dma_wait3A_239, %dma_wait3A_253, %dma_wait3A_254] : memref<4x32x768xf32, #tpu.memory_space<vmem>> -> memref<1x32x768xf32, #tpu.memory_space<vmem>>
    %dma_wait3A_256 = tpu.memref_squeeze %dma_wait3A_255 : memref<1x32x768xf32, #tpu.memory_space<vmem>> -> memref<32x768xf32, #tpu.memory_space<vmem>>
    tpu.wait_dma2 semaphore(%arg13 : memref<!tpu.dma_semaphore, #tpu.memory_space<semaphore_mem>>) src(%dma_wait3A_256 : memref<32x768xf32, #tpu.memory_space<vmem>>) dst(%dma_wait3A_252 : memref<32x768xf32, #tpu.memory_space<hbm>>)
    %dma_start3A_257 = arith.constant 2 : i32
    %dma_start3A_258 = arith.constant 0 : i32
    %dma_start3A_259 = arith.constant 0 : i32
    %dma_start3A_260 = tpu.memref_slice %arg6[%dma_start3A_257, %dma_start3A_258, %dma_start3A_259] : memref<4x32x768xf32, #tpu.memory_space<vmem>> -> memref<1x32x768xf32, #tpu.memory_space<vmem>>
    %dma_start3A_261 = tpu.memref_squeeze %dma_start3A_260 : memref<1x32x768xf32, #tpu.memory_space<vmem>> -> memref<32x768xf32, #tpu.memory_space<vmem>>
    %dma_start3A_262 = arith.constant 192 : i32
    %dma_start3A_263 = tpu.memref_slice %arg5[%dma_start3A_262] : memref<1024xi32, #tpu.memory_space<vmem>> -> memref<32xi32, #tpu.memory_space<vmem>>
    %dma_start3A_264 = arith.constant 0 : i32
    %dma_start3A_265 = arith.constant 0 : i32
    %dma_start3A_266 = tpu.memref_slice %arg2[%dma_start3A_264, %dma_start3A_265] : memref<50257x768xf32, #tpu.memory_space<hbm>> -> memref<50257x768xf32, #tpu.memory_space<hbm>>
    tpu.enqueue_indirect_dma source(%dma_start3A_266 : memref<50257x768xf32, #tpu.memory_space<hbm>>) target(%dma_start3A_261 : memref<32x768xf32, #tpu.memory_space<vmem>>) offsets(%dma_start3A_263 : memref<32xi32, #tpu.memory_space<vmem>>) semaphore(%arg9 : memref<!tpu.dma_semaphore, #tpu.memory_space<semaphore_mem>>)
    %scan3A = arith.constant 0 : i32
    %scan3A_267 = arith.constant 1 : i32
    %scan3A_268 = arith.constant 6 : i32
    %scan3A_269 = arith.addi %scan3A_267, %scan3A_268 : i32
    %scan3A_270 = arith.constant 1 : i32
    scf.for %scan3A_484 = %scan3A_267 to %scan3A_269 step %scan3A_270  : i32 {
      %mul3A_485 = arith.constant 4 : i32
      %mul3A_486 = arith.muli %scan3A_484, %mul3A_485 : i32
      %add3A_487 = arith.constant 0 : i32
      %add3A_488 = arith.addi %mul3A_486, %add3A_487 : i32
      %mul3A_489 = arith.constant 32 : i32
      %mul3A_490 = arith.muli %add3A_488, %mul3A_489 : i32
      %dma_wait3A_491 = arith.constant 0 : i32
      %dma_wait3A_492 = arith.constant 0 : i32
      %dma_wait3A_493 = arith.constant 0 : i32
      %dma_wait3A_494 = tpu.memref_slice %arg6[%dma_wait3A_491, %dma_wait3A_492, %dma_wait3A_493] : memref<4x32x768xf32, #tpu.memory_space<vmem>> -> memref<1x32x768xf32, #tpu.memory_space<vmem>>
      %dma_wait3A_495 = tpu.memref_squeeze %dma_wait3A_494 : memref<1x32x768xf32, #tpu.memory_space<vmem>> -> memref<32x768xf32, #tpu.memory_space<vmem>>
      %dma_wait3A_496 = tpu.memref_slice %arg5[%mul3A_490] : memref<1024xi32, #tpu.memory_space<vmem>> -> memref<32xi32, #tpu.memory_space<vmem>>
      %dma_wait3A_497 = arith.constant 0 : i32
      %dma_wait3A_498 = arith.constant 0 : i32
      %dma_wait3A_499 = tpu.memref_slice %arg2[%dma_wait3A_497, %dma_wait3A_498] : memref<50257x768xf32, #tpu.memory_space<hbm>> -> memref<50257x768xf32, #tpu.memory_space<hbm>>
      tpu.wait_indirect_dma semaphore(%arg7 : memref<!tpu.dma_semaphore, #tpu.memory_space<semaphore_mem>>) src(%dma_wait3A_499 : memref<50257x768xf32, #tpu.memory_space<hbm>>) dst(%dma_wait3A_495 : memref<32x768xf32, #tpu.memory_space<vmem>>)
      %dma_start3A_500 = arith.constant 0 : i32
      %dma_start3A_501 = arith.constant 0 : i32
      %dma_start3A_502 = arith.constant 0 : i32
      %dma_start3A_503 = tpu.memref_slice %arg6[%dma_start3A_500, %dma_start3A_501, %dma_start3A_502] : memref<4x32x768xf32, #tpu.memory_space<vmem>> -> memref<1x32x768xf32, #tpu.memory_space<vmem>>
      %dma_start3A_504 = tpu.memref_squeeze %dma_start3A_503 : memref<1x32x768xf32, #tpu.memory_space<vmem>> -> memref<32x768xf32, #tpu.memory_space<vmem>>
      %dma_start3A_505 = arith.constant 0 : i32
      %dma_start3A_506 = arith.constant 0 : i32
      %dma_start3A_507 = tpu.memref_slice %arg4[%add3A, %add3A_488, %dma_start3A_505, %dma_start3A_506] : memref<32x32x32x768xf32, #tpu.memory_space<hbm>> -> memref<1x1x32x768xf32, #tpu.memory_space<hbm>>
      %dma_start3A_508 = tpu.memref_squeeze %dma_start3A_507 : memref<1x1x32x768xf32, #tpu.memory_space<hbm>> -> memref<32x768xf32, #tpu.memory_space<hbm>>
      %dma_start3A_509 = arith.constant 0 : i32
      %dma_start3A_510 = arith.constant 0 : i32
      %dma_start3A_511 = tpu.memref_slice %arg4[%add3A, %add3A_488, %dma_start3A_509, %dma_start3A_510] : memref<32x32x32x768xf32, #tpu.memory_space<hbm>> -> memref<1x1x32x768xf32, #tpu.memory_space<hbm>>
      %dma_start3A_512 = tpu.memref_squeeze %dma_start3A_511 : memref<1x1x32x768xf32, #tpu.memory_space<hbm>> -> memref<32x768xf32, #tpu.memory_space<hbm>>
      %dma_start3A_513 = arith.constant 0 : i32
      %dma_start3A_514 = arith.constant 0 : i32
      %dma_start3A_515 = tpu.memref_slice %arg6[%dma_start3A_500, %dma_start3A_513, %dma_start3A_514] : memref<4x32x768xf32, #tpu.memory_space<vmem>> -> memref<1x32x768xf32, #tpu.memory_space<vmem>>
      %dma_start3A_516 = tpu.memref_squeeze %dma_start3A_515 : memref<1x32x768xf32, #tpu.memory_space<vmem>> -> memref<32x768xf32, #tpu.memory_space<vmem>>
      tpu.enqueue_dma source(%dma_start3A_516 : memref<32x768xf32, #tpu.memory_space<vmem>>) target(%dma_start3A_512 : memref<32x768xf32, #tpu.memory_space<hbm>>) target_semaphore(%arg11 : memref<!tpu.dma_semaphore, #tpu.memory_space<semaphore_mem>>)
      %dma_wait3A_517 = arith.constant 3 : i32
      %dma_wait3A_518 = arith.constant 0 : i32
      %dma_wait3A_519 = arith.constant 0 : i32
      %dma_wait3A_520 = tpu.memref_slice %arg6[%dma_wait3A_517, %dma_wait3A_518, %dma_wait3A_519] : memref<4x32x768xf32, #tpu.memory_space<vmem>> -> memref<1x32x768xf32, #tpu.memory_space<vmem>>
      %dma_wait3A_521 = tpu.memref_squeeze %dma_wait3A_520 : memref<1x32x768xf32, #tpu.memory_space<vmem>> -> memref<32x768xf32, #tpu.memory_space<vmem>>
      %dma_wait3A_522 = arith.constant 0 : i32
      %dma_wait3A_523 = arith.constant 0 : i32
      %dma_wait3A_524 = tpu.memref_slice %arg4[%add3A, %add3A_488, %dma_wait3A_522, %dma_wait3A_523] : memref<32x32x32x768xf32, #tpu.memory_space<hbm>> -> memref<1x1x32x768xf32, #tpu.memory_space<hbm>>
      %dma_wait3A_525 = tpu.memref_squeeze %dma_wait3A_524 : memref<1x1x32x768xf32, #tpu.memory_space<hbm>> -> memref<32x768xf32, #tpu.memory_space<hbm>>
      %dma_wait3A_526 = arith.constant 0 : i32
      %dma_wait3A_527 = arith.constant 0 : i32
      %dma_wait3A_528 = tpu.memref_slice %arg4[%add3A, %add3A_488, %dma_wait3A_526, %dma_wait3A_527] : memref<32x32x32x768xf32, #tpu.memory_space<hbm>> -> memref<1x1x32x768xf32, #tpu.memory_space<hbm>>
      %dma_wait3A_529 = tpu.memref_squeeze %dma_wait3A_528 : memref<1x1x32x768xf32, #tpu.memory_space<hbm>> -> memref<32x768xf32, #tpu.memory_space<hbm>>
      %dma_wait3A_530 = arith.constant 0 : i32
      %dma_wait3A_531 = arith.constant 0 : i32
      %dma_wait3A_532 = tpu.memref_slice %arg6[%dma_wait3A_517, %dma_wait3A_530, %dma_wait3A_531] : memref<4x32x768xf32, #tpu.memory_space<vmem>> -> memref<1x32x768xf32, #tpu.memory_space<vmem>>
      %dma_wait3A_533 = tpu.memref_squeeze %dma_wait3A_532 : memref<1x32x768xf32, #tpu.memory_space<vmem>> -> memref<32x768xf32, #tpu.memory_space<vmem>>
      tpu.wait_dma2 semaphore(%arg14 : memref<!tpu.dma_semaphore, #tpu.memory_space<semaphore_mem>>) src(%dma_wait3A_533 : memref<32x768xf32, #tpu.memory_space<vmem>>) dst(%dma_wait3A_529 : memref<32x768xf32, #tpu.memory_space<hbm>>)
      %add3A_534 = arith.constant 3 : i32
      %add3A_535 = arith.addi %add3A_488, %add3A_534 : i32
      %mul3A_536 = arith.constant 32 : i32
      %mul3A_537 = arith.muli %add3A_535, %mul3A_536 : i32
      %dma_start3A_538 = arith.constant 3 : i32
      %dma_start3A_539 = arith.constant 0 : i32
      %dma_start3A_540 = arith.constant 0 : i32
      %dma_start3A_541 = tpu.memref_slice %arg6[%dma_start3A_538, %dma_start3A_539, %dma_start3A_540] : memref<4x32x768xf32, #tpu.memory_space<vmem>> -> memref<1x32x768xf32, #tpu.memory_space<vmem>>
      %dma_start3A_542 = tpu.memref_squeeze %dma_start3A_541 : memref<1x32x768xf32, #tpu.memory_space<vmem>> -> memref<32x768xf32, #tpu.memory_space<vmem>>
      %dma_start3A_543 = tpu.memref_slice %arg5[%mul3A_537] : memref<1024xi32, #tpu.memory_space<vmem>> -> memref<32xi32, #tpu.memory_space<vmem>>
      %dma_start3A_544 = arith.constant 0 : i32
      %dma_start3A_545 = arith.constant 0 : i32
      %dma_start3A_546 = tpu.memref_slice %arg2[%dma_start3A_544, %dma_start3A_545] : memref<50257x768xf32, #tpu.memory_space<hbm>> -> memref<50257x768xf32, #tpu.memory_space<hbm>>
      tpu.enqueue_indirect_dma source(%dma_start3A_546 : memref<50257x768xf32, #tpu.memory_space<hbm>>) target(%dma_start3A_542 : memref<32x768xf32, #tpu.memory_space<vmem>>) offsets(%dma_start3A_543 : memref<32xi32, #tpu.memory_space<vmem>>) semaphore(%arg10 : memref<!tpu.dma_semaphore, #tpu.memory_space<semaphore_mem>>)
      %mul3A_547 = arith.constant 4 : i32
      %mul3A_548 = arith.muli %scan3A_484, %mul3A_547 : i32
      %add3A_549 = arith.constant 1 : i32
      %add3A_550 = arith.addi %mul3A_548, %add3A_549 : i32
      %mul3A_551 = arith.constant 32 : i32
      %mul3A_552 = arith.muli %add3A_550, %mul3A_551 : i32
      %dma_wait3A_553 = arith.constant 1 : i32
      %dma_wait3A_554 = arith.constant 0 : i32
      %dma_wait3A_555 = arith.constant 0 : i32
      %dma_wait3A_556 = tpu.memref_slice %arg6[%dma_wait3A_553, %dma_wait3A_554, %dma_wait3A_555] : memref<4x32x768xf32, #tpu.memory_space<vmem>> -> memref<1x32x768xf32, #tpu.memory_space<vmem>>
      %dma_wait3A_557 = tpu.memref_squeeze %dma_wait3A_556 : memref<1x32x768xf32, #tpu.memory_space<vmem>> -> memref<32x768xf32, #tpu.memory_space<vmem>>
      %dma_wait3A_558 = tpu.memref_slice %arg5[%mul3A_552] : memref<1024xi32, #tpu.memory_space<vmem>> -> memref<32xi32, #tpu.memory_space<vmem>>
      %dma_wait3A_559 = arith.constant 0 : i32
      %dma_wait3A_560 = arith.constant 0 : i32
      %dma_wait3A_561 = tpu.memref_slice %arg2[%dma_wait3A_559, %dma_wait3A_560] : memref<50257x768xf32, #tpu.memory_space<hbm>> -> memref<50257x768xf32, #tpu.memory_space<hbm>>
      tpu.wait_indirect_dma semaphore(%arg8 : memref<!tpu.dma_semaphore, #tpu.memory_space<semaphore_mem>>) src(%dma_wait3A_561 : memref<50257x768xf32, #tpu.memory_space<hbm>>) dst(%dma_wait3A_557 : memref<32x768xf32, #tpu.memory_space<vmem>>)
      %dma_start3A_562 = arith.constant 1 : i32
      %dma_start3A_563 = arith.constant 0 : i32
      %dma_start3A_564 = arith.constant 0 : i32
      %dma_start3A_565 = tpu.memref_slice %arg6[%dma_start3A_562, %dma_start3A_563, %dma_start3A_564] : memref<4x32x768xf32, #tpu.memory_space<vmem>> -> memref<1x32x768xf32, #tpu.memory_space<vmem>>
      %dma_start3A_566 = tpu.memref_squeeze %dma_start3A_565 : memref<1x32x768xf32, #tpu.memory_space<vmem>> -> memref<32x768xf32, #tpu.memory_space<vmem>>
      %dma_start3A_567 = arith.constant 0 : i32
      %dma_start3A_568 = arith.constant 0 : i32
      %dma_start3A_569 = tpu.memref_slice %arg4[%add3A, %add3A_550, %dma_start3A_567, %dma_start3A_568] : memref<32x32x32x768xf32, #tpu.memory_space<hbm>> -> memref<1x1x32x768xf32, #tpu.memory_space<hbm>>
      %dma_start3A_570 = tpu.memref_squeeze %dma_start3A_569 : memref<1x1x32x768xf32, #tpu.memory_space<hbm>> -> memref<32x768xf32, #tpu.memory_space<hbm>>
      %dma_start3A_571 = arith.constant 0 : i32
      %dma_start3A_572 = arith.constant 0 : i32
      %dma_start3A_573 = tpu.memref_slice %arg4[%add3A, %add3A_550, %dma_start3A_571, %dma_start3A_572] : memref<32x32x32x768xf32, #tpu.memory_space<hbm>> -> memref<1x1x32x768xf32, #tpu.memory_space<hbm>>
      %dma_start3A_574 = tpu.memref_squeeze %dma_start3A_573 : memref<1x1x32x768xf32, #tpu.memory_space<hbm>> -> memref<32x768xf32, #tpu.memory_space<hbm>>
      %dma_start3A_575 = arith.constant 0 : i32
      %dma_start3A_576 = arith.constant 0 : i32
      %dma_start3A_577 = tpu.memref_slice %arg6[%dma_start3A_562, %dma_start3A_575, %dma_start3A_576] : memref<4x32x768xf32, #tpu.memory_space<vmem>> -> memref<1x32x768xf32, #tpu.memory_space<vmem>>
      %dma_start3A_578 = tpu.memref_squeeze %dma_start3A_577 : memref<1x32x768xf32, #tpu.memory_space<vmem>> -> memref<32x768xf32, #tpu.memory_space<vmem>>
      tpu.enqueue_dma source(%dma_start3A_578 : memref<32x768xf32, #tpu.memory_space<vmem>>) target(%dma_start3A_574 : memref<32x768xf32, #tpu.memory_space<hbm>>) target_semaphore(%arg12 : memref<!tpu.dma_semaphore, #tpu.memory_space<semaphore_mem>>)
      %dma_wait3A_579 = arith.constant 0 : i32
      %dma_wait3A_580 = arith.constant 0 : i32
      %dma_wait3A_581 = arith.constant 0 : i32
      %dma_wait3A_582 = tpu.memref_slice %arg6[%dma_wait3A_579, %dma_wait3A_580, %dma_wait3A_581] : memref<4x32x768xf32, #tpu.memory_space<vmem>> -> memref<1x32x768xf32, #tpu.memory_space<vmem>>
      %dma_wait3A_583 = tpu.memref_squeeze %dma_wait3A_582 : memref<1x32x768xf32, #tpu.memory_space<vmem>> -> memref<32x768xf32, #tpu.memory_space<vmem>>
      %dma_wait3A_584 = arith.constant 0 : i32
      %dma_wait3A_585 = arith.constant 0 : i32
      %dma_wait3A_586 = tpu.memref_slice %arg4[%add3A, %add3A_550, %dma_wait3A_584, %dma_wait3A_585] : memref<32x32x32x768xf32, #tpu.memory_space<hbm>> -> memref<1x1x32x768xf32, #tpu.memory_space<hbm>>
      %dma_wait3A_587 = tpu.memref_squeeze %dma_wait3A_586 : memref<1x1x32x768xf32, #tpu.memory_space<hbm>> -> memref<32x768xf32, #tpu.memory_space<hbm>>
      %dma_wait3A_588 = arith.constant 0 : i32
      %dma_wait3A_589 = arith.constant 0 : i32
      %dma_wait3A_590 = tpu.memref_slice %arg4[%add3A, %add3A_550, %dma_wait3A_588, %dma_wait3A_589] : memref<32x32x32x768xf32, #tpu.memory_space<hbm>> -> memref<1x1x32x768xf32, #tpu.memory_space<hbm>>
      %dma_wait3A_591 = tpu.memref_squeeze %dma_wait3A_590 : memref<1x1x32x768xf32, #tpu.memory_space<hbm>> -> memref<32x768xf32, #tpu.memory_space<hbm>>
      %dma_wait3A_592 = arith.constant 0 : i32
      %dma_wait3A_593 = arith.constant 0 : i32
      %dma_wait3A_594 = tpu.memref_slice %arg6[%dma_wait3A_579, %dma_wait3A_592, %dma_wait3A_593] : memref<4x32x768xf32, #tpu.memory_space<vmem>> -> memref<1x32x768xf32, #tpu.memory_space<vmem>>
      %dma_wait3A_595 = tpu.memref_squeeze %dma_wait3A_594 : memref<1x32x768xf32, #tpu.memory_space<vmem>> -> memref<32x768xf32, #tpu.memory_space<vmem>>
      tpu.wait_dma2 semaphore(%arg11 : memref<!tpu.dma_semaphore, #tpu.memory_space<semaphore_mem>>) src(%dma_wait3A_595 : memref<32x768xf32, #tpu.memory_space<vmem>>) dst(%dma_wait3A_591 : memref<32x768xf32, #tpu.memory_space<hbm>>)
      %add3A_596 = arith.constant 3 : i32
      %add3A_597 = arith.addi %add3A_550, %add3A_596 : i32
      %mul3A_598 = arith.constant 32 : i32
      %mul3A_599 = arith.muli %add3A_597, %mul3A_598 : i32
      %dma_start3A_600 = arith.constant 0 : i32
      %dma_start3A_601 = arith.constant 0 : i32
      %dma_start3A_602 = arith.constant 0 : i32
      %dma_start3A_603 = tpu.memref_slice %arg6[%dma_start3A_600, %dma_start3A_601, %dma_start3A_602] : memref<4x32x768xf32, #tpu.memory_space<vmem>> -> memref<1x32x768xf32, #tpu.memory_space<vmem>>
      %dma_start3A_604 = tpu.memref_squeeze %dma_start3A_603 : memref<1x32x768xf32, #tpu.memory_space<vmem>> -> memref<32x768xf32, #tpu.memory_space<vmem>>
      %dma_start3A_605 = tpu.memref_slice %arg5[%mul3A_599] : memref<1024xi32, #tpu.memory_space<vmem>> -> memref<32xi32, #tpu.memory_space<vmem>>
      %dma_start3A_606 = arith.constant 0 : i32
      %dma_start3A_607 = arith.constant 0 : i32
      %dma_start3A_608 = tpu.memref_slice %arg2[%dma_start3A_606, %dma_start3A_607] : memref<50257x768xf32, #tpu.memory_space<hbm>> -> memref<50257x768xf32, #tpu.memory_space<hbm>>
      tpu.enqueue_indirect_dma source(%dma_start3A_608 : memref<50257x768xf32, #tpu.memory_space<hbm>>) target(%dma_start3A_604 : memref<32x768xf32, #tpu.memory_space<vmem>>) offsets(%dma_start3A_605 : memref<32xi32, #tpu.memory_space<vmem>>) semaphore(%arg7 : memref<!tpu.dma_semaphore, #tpu.memory_space<semaphore_mem>>)
      %mul3A_609 = arith.constant 4 : i32
      %mul3A_610 = arith.muli %scan3A_484, %mul3A_609 : i32
      %add3A_611 = arith.constant 2 : i32
      %add3A_612 = arith.addi %mul3A_610, %add3A_611 : i32
      %mul3A_613 = arith.constant 32 : i32
      %mul3A_614 = arith.muli %add3A_612, %mul3A_613 : i32
      %dma_wait3A_615 = arith.constant 2 : i32
      %dma_wait3A_616 = arith.constant 0 : i32
      %dma_wait3A_617 = arith.constant 0 : i32
      %dma_wait3A_618 = tpu.memref_slice %arg6[%dma_wait3A_615, %dma_wait3A_616, %dma_wait3A_617] : memref<4x32x768xf32, #tpu.memory_space<vmem>> -> memref<1x32x768xf32, #tpu.memory_space<vmem>>
      %dma_wait3A_619 = tpu.memref_squeeze %dma_wait3A_618 : memref<1x32x768xf32, #tpu.memory_space<vmem>> -> memref<32x768xf32, #tpu.memory_space<vmem>>
      %dma_wait3A_620 = tpu.memref_slice %arg5[%mul3A_614] : memref<1024xi32, #tpu.memory_space<vmem>> -> memref<32xi32, #tpu.memory_space<vmem>>
      %dma_wait3A_621 = arith.constant 0 : i32
      %dma_wait3A_622 = arith.constant 0 : i32
      %dma_wait3A_623 = tpu.memref_slice %arg2[%dma_wait3A_621, %dma_wait3A_622] : memref<50257x768xf32, #tpu.memory_space<hbm>> -> memref<50257x768xf32, #tpu.memory_space<hbm>>
      tpu.wait_indirect_dma semaphore(%arg9 : memref<!tpu.dma_semaphore, #tpu.memory_space<semaphore_mem>>) src(%dma_wait3A_623 : memref<50257x768xf32, #tpu.memory_space<hbm>>) dst(%dma_wait3A_619 : memref<32x768xf32, #tpu.memory_space<vmem>>)
      %dma_start3A_624 = arith.constant 2 : i32
      %dma_start3A_625 = arith.constant 0 : i32
      %dma_start3A_626 = arith.constant 0 : i32
      %dma_start3A_627 = tpu.memref_slice %arg6[%dma_start3A_624, %dma_start3A_625, %dma_start3A_626] : memref<4x32x768xf32, #tpu.memory_space<vmem>> -> memref<1x32x768xf32, #tpu.memory_space<vmem>>
      %dma_start3A_628 = tpu.memref_squeeze %dma_start3A_627 : memref<1x32x768xf32, #tpu.memory_space<vmem>> -> memref<32x768xf32, #tpu.memory_space<vmem>>
      %dma_start3A_629 = arith.constant 0 : i32
      %dma_start3A_630 = arith.constant 0 : i32
      %dma_start3A_631 = tpu.memref_slice %arg4[%add3A, %add3A_612, %dma_start3A_629, %dma_start3A_630] : memref<32x32x32x768xf32, #tpu.memory_space<hbm>> -> memref<1x1x32x768xf32, #tpu.memory_space<hbm>>
      %dma_start3A_632 = tpu.memref_squeeze %dma_start3A_631 : memref<1x1x32x768xf32, #tpu.memory_space<hbm>> -> memref<32x768xf32, #tpu.memory_space<hbm>>
      %dma_start3A_633 = arith.constant 0 : i32
      %dma_start3A_634 = arith.constant 0 : i32
      %dma_start3A_635 = tpu.memref_slice %arg4[%add3A, %add3A_612, %dma_start3A_633, %dma_start3A_634] : memref<32x32x32x768xf32, #tpu.memory_space<hbm>> -> memref<1x1x32x768xf32, #tpu.memory_space<hbm>>
      %dma_start3A_636 = tpu.memref_squeeze %dma_start3A_635 : memref<1x1x32x768xf32, #tpu.memory_space<hbm>> -> memref<32x768xf32, #tpu.memory_space<hbm>>
      %dma_start3A_637 = arith.constant 0 : i32
      %dma_start3A_638 = arith.constant 0 : i32
      %dma_start3A_639 = tpu.memref_slice %arg6[%dma_start3A_624, %dma_start3A_637, %dma_start3A_638] : memref<4x32x768xf32, #tpu.memory_space<vmem>> -> memref<1x32x768xf32, #tpu.memory_space<vmem>>
      %dma_start3A_640 = tpu.memref_squeeze %dma_start3A_639 : memref<1x32x768xf32, #tpu.memory_space<vmem>> -> memref<32x768xf32, #tpu.memory_space<vmem>>
      tpu.enqueue_dma source(%dma_start3A_640 : memref<32x768xf32, #tpu.memory_space<vmem>>) target(%dma_start3A_636 : memref<32x768xf32, #tpu.memory_space<hbm>>) target_semaphore(%arg13 : memref<!tpu.dma_semaphore, #tpu.memory_space<semaphore_mem>>)
      %dma_wait3A_641 = arith.constant 1 : i32
      %dma_wait3A_642 = arith.constant 0 : i32
      %dma_wait3A_643 = arith.constant 0 : i32
      %dma_wait3A_644 = tpu.memref_slice %arg6[%dma_wait3A_641, %dma_wait3A_642, %dma_wait3A_643] : memref<4x32x768xf32, #tpu.memory_space<vmem>> -> memref<1x32x768xf32, #tpu.memory_space<vmem>>
      %dma_wait3A_645 = tpu.memref_squeeze %dma_wait3A_644 : memref<1x32x768xf32, #tpu.memory_space<vmem>> -> memref<32x768xf32, #tpu.memory_space<vmem>>
      %dma_wait3A_646 = arith.constant 0 : i32
      %dma_wait3A_647 = arith.constant 0 : i32
      %dma_wait3A_648 = tpu.memref_slice %arg4[%add3A, %add3A_612, %dma_wait3A_646, %dma_wait3A_647] : memref<32x32x32x768xf32, #tpu.memory_space<hbm>> -> memref<1x1x32x768xf32, #tpu.memory_space<hbm>>
      %dma_wait3A_649 = tpu.memref_squeeze %dma_wait3A_648 : memref<1x1x32x768xf32, #tpu.memory_space<hbm>> -> memref<32x768xf32, #tpu.memory_space<hbm>>
      %dma_wait3A_650 = arith.constant 0 : i32
      %dma_wait3A_651 = arith.constant 0 : i32
      %dma_wait3A_652 = tpu.memref_slice %arg4[%add3A, %add3A_612, %dma_wait3A_650, %dma_wait3A_651] : memref<32x32x32x768xf32, #tpu.memory_space<hbm>> -> memref<1x1x32x768xf32, #tpu.memory_space<hbm>>
      %dma_wait3A_653 = tpu.memref_squeeze %dma_wait3A_652 : memref<1x1x32x768xf32, #tpu.memory_space<hbm>> -> memref<32x768xf32, #tpu.memory_space<hbm>>
      %dma_wait3A_654 = arith.constant 0 : i32
      %dma_wait3A_655 = arith.constant 0 : i32
      %dma_wait3A_656 = tpu.memref_slice %arg6[%dma_wait3A_641, %dma_wait3A_654, %dma_wait3A_655] : memref<4x32x768xf32, #tpu.memory_space<vmem>> -> memref<1x32x768xf32, #tpu.memory_space<vmem>>
      %dma_wait3A_657 = tpu.memref_squeeze %dma_wait3A_656 : memref<1x32x768xf32, #tpu.memory_space<vmem>> -> memref<32x768xf32, #tpu.memory_space<vmem>>
      tpu.wait_dma2 semaphore(%arg12 : memref<!tpu.dma_semaphore, #tpu.memory_space<semaphore_mem>>) src(%dma_wait3A_657 : memref<32x768xf32, #tpu.memory_space<vmem>>) dst(%dma_wait3A_653 : memref<32x768xf32, #tpu.memory_space<hbm>>)
      %add3A_658 = arith.constant 3 : i32
      %add3A_659 = arith.addi %add3A_612, %add3A_658 : i32
      %mul3A_660 = arith.constant 32 : i32
      %mul3A_661 = arith.muli %add3A_659, %mul3A_660 : i32
      %dma_start3A_662 = arith.constant 1 : i32
      %dma_start3A_663 = arith.constant 0 : i32
      %dma_start3A_664 = arith.constant 0 : i32
      %dma_start3A_665 = tpu.memref_slice %arg6[%dma_start3A_662, %dma_start3A_663, %dma_start3A_664] : memref<4x32x768xf32, #tpu.memory_space<vmem>> -> memref<1x32x768xf32, #tpu.memory_space<vmem>>
      %dma_start3A_666 = tpu.memref_squeeze %dma_start3A_665 : memref<1x32x768xf32, #tpu.memory_space<vmem>> -> memref<32x768xf32, #tpu.memory_space<vmem>>
      %dma_start3A_667 = tpu.memref_slice %arg5[%mul3A_661] : memref<1024xi32, #tpu.memory_space<vmem>> -> memref<32xi32, #tpu.memory_space<vmem>>
      %dma_start3A_668 = arith.constant 0 : i32
      %dma_start3A_669 = arith.constant 0 : i32
      %dma_start3A_670 = tpu.memref_slice %arg2[%dma_start3A_668, %dma_start3A_669] : memref<50257x768xf32, #tpu.memory_space<hbm>> -> memref<50257x768xf32, #tpu.memory_space<hbm>>
      tpu.enqueue_indirect_dma source(%dma_start3A_670 : memref<50257x768xf32, #tpu.memory_space<hbm>>) target(%dma_start3A_666 : memref<32x768xf32, #tpu.memory_space<vmem>>) offsets(%dma_start3A_667 : memref<32xi32, #tpu.memory_space<vmem>>) semaphore(%arg8 : memref<!tpu.dma_semaphore, #tpu.memory_space<semaphore_mem>>)
      %mul3A_671 = arith.constant 4 : i32
      %mul3A_672 = arith.muli %scan3A_484, %mul3A_671 : i32
      %add3A_673 = arith.constant 3 : i32
      %add3A_674 = arith.addi %mul3A_672, %add3A_673 : i32
      %mul3A_675 = arith.constant 32 : i32
      %mul3A_676 = arith.muli %add3A_674, %mul3A_675 : i32
      %dma_wait3A_677 = arith.constant 3 : i32
      %dma_wait3A_678 = arith.constant 0 : i32
      %dma_wait3A_679 = arith.constant 0 : i32
      %dma_wait3A_680 = tpu.memref_slice %arg6[%dma_wait3A_677, %dma_wait3A_678, %dma_wait3A_679] : memref<4x32x768xf32, #tpu.memory_space<vmem>> -> memref<1x32x768xf32, #tpu.memory_space<vmem>>
      %dma_wait3A_681 = tpu.memref_squeeze %dma_wait3A_680 : memref<1x32x768xf32, #tpu.memory_space<vmem>> -> memref<32x768xf32, #tpu.memory_space<vmem>>
      %dma_wait3A_682 = tpu.memref_slice %arg5[%mul3A_676] : memref<1024xi32, #tpu.memory_space<vmem>> -> memref<32xi32, #tpu.memory_space<vmem>>
      %dma_wait3A_683 = arith.constant 0 : i32
      %dma_wait3A_684 = arith.constant 0 : i32
      %dma_wait3A_685 = tpu.memref_slice %arg2[%dma_wait3A_683, %dma_wait3A_684] : memref<50257x768xf32, #tpu.memory_space<hbm>> -> memref<50257x768xf32, #tpu.memory_space<hbm>>
      tpu.wait_indirect_dma semaphore(%arg10 : memref<!tpu.dma_semaphore, #tpu.memory_space<semaphore_mem>>) src(%dma_wait3A_685 : memref<50257x768xf32, #tpu.memory_space<hbm>>) dst(%dma_wait3A_681 : memref<32x768xf32, #tpu.memory_space<vmem>>)
      %dma_start3A_686 = arith.constant 3 : i32
      %dma_start3A_687 = arith.constant 0 : i32
      %dma_start3A_688 = arith.constant 0 : i32
      %dma_start3A_689 = tpu.memref_slice %arg6[%dma_start3A_686, %dma_start3A_687, %dma_start3A_688] : memref<4x32x768xf32, #tpu.memory_space<vmem>> -> memref<1x32x768xf32, #tpu.memory_space<vmem>>
      %dma_start3A_690 = tpu.memref_squeeze %dma_start3A_689 : memref<1x32x768xf32, #tpu.memory_space<vmem>> -> memref<32x768xf32, #tpu.memory_space<vmem>>
      %dma_start3A_691 = arith.constant 0 : i32
      %dma_start3A_692 = arith.constant 0 : i32
      %dma_start3A_693 = tpu.memref_slice %arg4[%add3A, %add3A_674, %dma_start3A_691, %dma_start3A_692] : memref<32x32x32x768xf32, #tpu.memory_space<hbm>> -> memref<1x1x32x768xf32, #tpu.memory_space<hbm>>
      %dma_start3A_694 = tpu.memref_squeeze %dma_start3A_693 : memref<1x1x32x768xf32, #tpu.memory_space<hbm>> -> memref<32x768xf32, #tpu.memory_space<hbm>>
      %dma_start3A_695 = arith.constant 0 : i32
      %dma_start3A_696 = arith.constant 0 : i32
      %dma_start3A_697 = tpu.memref_slice %arg4[%add3A, %add3A_674, %dma_start3A_695, %dma_start3A_696] : memref<32x32x32x768xf32, #tpu.memory_space<hbm>> -> memref<1x1x32x768xf32, #tpu.memory_space<hbm>>
      %dma_start3A_698 = tpu.memref_squeeze %dma_start3A_697 : memref<1x1x32x768xf32, #tpu.memory_space<hbm>> -> memref<32x768xf32, #tpu.memory_space<hbm>>
      %dma_start3A_699 = arith.constant 0 : i32
      %dma_start3A_700 = arith.constant 0 : i32
      %dma_start3A_701 = tpu.memref_slice %arg6[%dma_start3A_686, %dma_start3A_699, %dma_start3A_700] : memref<4x32x768xf32, #tpu.memory_space<vmem>> -> memref<1x32x768xf32, #tpu.memory_space<vmem>>
      %dma_start3A_702 = tpu.memref_squeeze %dma_start3A_701 : memref<1x32x768xf32, #tpu.memory_space<vmem>> -> memref<32x768xf32, #tpu.memory_space<vmem>>
      tpu.enqueue_dma source(%dma_start3A_702 : memref<32x768xf32, #tpu.memory_space<vmem>>) target(%dma_start3A_698 : memref<32x768xf32, #tpu.memory_space<hbm>>) target_semaphore(%arg14 : memref<!tpu.dma_semaphore, #tpu.memory_space<semaphore_mem>>)
      %dma_wait3A_703 = arith.constant 2 : i32
      %dma_wait3A_704 = arith.constant 0 : i32
      %dma_wait3A_705 = arith.constant 0 : i32
      %dma_wait3A_706 = tpu.memref_slice %arg6[%dma_wait3A_703, %dma_wait3A_704, %dma_wait3A_705] : memref<4x32x768xf32, #tpu.memory_space<vmem>> -> memref<1x32x768xf32, #tpu.memory_space<vmem>>
      %dma_wait3A_707 = tpu.memref_squeeze %dma_wait3A_706 : memref<1x32x768xf32, #tpu.memory_space<vmem>> -> memref<32x768xf32, #tpu.memory_space<vmem>>
      %dma_wait3A_708 = arith.constant 0 : i32
      %dma_wait3A_709 = arith.constant 0 : i32
      %dma_wait3A_710 = tpu.memref_slice %arg4[%add3A, %add3A_674, %dma_wait3A_708, %dma_wait3A_709] : memref<32x32x32x768xf32, #tpu.memory_space<hbm>> -> memref<1x1x32x768xf32, #tpu.memory_space<hbm>>
      %dma_wait3A_711 = tpu.memref_squeeze %dma_wait3A_710 : memref<1x1x32x768xf32, #tpu.memory_space<hbm>> -> memref<32x768xf32, #tpu.memory_space<hbm>>
      %dma_wait3A_712 = arith.constant 0 : i32
      %dma_wait3A_713 = arith.constant 0 : i32
      %dma_wait3A_714 = tpu.memref_slice %arg4[%add3A, %add3A_674, %dma_wait3A_712, %dma_wait3A_713] : memref<32x32x32x768xf32, #tpu.memory_space<hbm>> -> memref<1x1x32x768xf32, #tpu.memory_space<hbm>>
      %dma_wait3A_715 = tpu.memref_squeeze %dma_wait3A_714 : memref<1x1x32x768xf32, #tpu.memory_space<hbm>> -> memref<32x768xf32, #tpu.memory_space<hbm>>
      %dma_wait3A_716 = arith.constant 0 : i32
      %dma_wait3A_717 = arith.constant 0 : i32
      %dma_wait3A_718 = tpu.memref_slice %arg6[%dma_wait3A_703, %dma_wait3A_716, %dma_wait3A_717] : memref<4x32x768xf32, #tpu.memory_space<vmem>> -> memref<1x32x768xf32, #tpu.memory_space<vmem>>
      %dma_wait3A_719 = tpu.memref_squeeze %dma_wait3A_718 : memref<1x32x768xf32, #tpu.memory_space<vmem>> -> memref<32x768xf32, #tpu.memory_space<vmem>>
      tpu.wait_dma2 semaphore(%arg13 : memref<!tpu.dma_semaphore, #tpu.memory_space<semaphore_mem>>) src(%dma_wait3A_719 : memref<32x768xf32, #tpu.memory_space<vmem>>) dst(%dma_wait3A_715 : memref<32x768xf32, #tpu.memory_space<hbm>>)
      %add3A_720 = arith.constant 3 : i32
      %add3A_721 = arith.addi %add3A_674, %add3A_720 : i32
      %mul3A_722 = arith.constant 32 : i32
      %mul3A_723 = arith.muli %add3A_721, %mul3A_722 : i32
      %dma_start3A_724 = arith.constant 2 : i32
      %dma_start3A_725 = arith.constant 0 : i32
      %dma_start3A_726 = arith.constant 0 : i32
      %dma_start3A_727 = tpu.memref_slice %arg6[%dma_start3A_724, %dma_start3A_725, %dma_start3A_726] : memref<4x32x768xf32, #tpu.memory_space<vmem>> -> memref<1x32x768xf32, #tpu.memory_space<vmem>>
      %dma_start3A_728 = tpu.memref_squeeze %dma_start3A_727 : memref<1x32x768xf32, #tpu.memory_space<vmem>> -> memref<32x768xf32, #tpu.memory_space<vmem>>
      %dma_start3A_729 = tpu.memref_slice %arg5[%mul3A_723] : memref<1024xi32, #tpu.memory_space<vmem>> -> memref<32xi32, #tpu.memory_space<vmem>>
      %dma_start3A_730 = arith.constant 0 : i32
      %dma_start3A_731 = arith.constant 0 : i32
      %dma_start3A_732 = tpu.memref_slice %arg2[%dma_start3A_730, %dma_start3A_731] : memref<50257x768xf32, #tpu.memory_space<hbm>> -> memref<50257x768xf32, #tpu.memory_space<hbm>>
      tpu.enqueue_indirect_dma source(%dma_start3A_732 : memref<50257x768xf32, #tpu.memory_space<hbm>>) target(%dma_start3A_728 : memref<32x768xf32, #tpu.memory_space<vmem>>) offsets(%dma_start3A_729 : memref<32xi32, #tpu.memory_space<vmem>>) semaphore(%arg9 : memref<!tpu.dma_semaphore, #tpu.memory_space<semaphore_mem>>)
    }
    %scan3A_271 = arith.constant 6 : i32
    %dma_wait3A_272 = arith.constant 0 : i32
    %dma_wait3A_273 = arith.constant 0 : i32
    %dma_wait3A_274 = arith.constant 0 : i32
    %dma_wait3A_275 = tpu.memref_slice %arg6[%dma_wait3A_272, %dma_wait3A_273, %dma_wait3A_274] : memref<4x32x768xf32, #tpu.memory_space<vmem>> -> memref<1x32x768xf32, #tpu.memory_space<vmem>>
    %dma_wait3A_276 = tpu.memref_squeeze %dma_wait3A_275 : memref<1x32x768xf32, #tpu.memory_space<vmem>> -> memref<32x768xf32, #tpu.memory_space<vmem>>
    %dma_wait3A_277 = arith.constant 896 : i32
    %dma_wait3A_278 = tpu.memref_slice %arg5[%dma_wait3A_277] : memref<1024xi32, #tpu.memory_space<vmem>> -> memref<32xi32, #tpu.memory_space<vmem>>
    %dma_wait3A_279 = arith.constant 0 : i32
    %dma_wait3A_280 = arith.constant 0 : i32
    %dma_wait3A_281 = tpu.memref_slice %arg2[%dma_wait3A_279, %dma_wait3A_280] : memref<50257x768xf32, #tpu.memory_space<hbm>> -> memref<50257x768xf32, #tpu.memory_space<hbm>>
    tpu.wait_indirect_dma semaphore(%arg7 : memref<!tpu.dma_semaphore, #tpu.memory_space<semaphore_mem>>) src(%dma_wait3A_281 : memref<50257x768xf32, #tpu.memory_space<hbm>>) dst(%dma_wait3A_276 : memref<32x768xf32, #tpu.memory_space<vmem>>)
    %dma_start3A_282 = arith.constant 0 : i32
    %dma_start3A_283 = arith.constant 28 : i32
    %dma_start3A_284 = arith.constant 0 : i32
    %dma_start3A_285 = arith.constant 0 : i32
    %dma_start3A_286 = tpu.memref_slice %arg6[%dma_start3A_282, %dma_start3A_284, %dma_start3A_285] : memref<4x32x768xf32, #tpu.memory_space<vmem>> -> memref<1x32x768xf32, #tpu.memory_space<vmem>>
    %dma_start3A_287 = tpu.memref_squeeze %dma_start3A_286 : memref<1x32x768xf32, #tpu.memory_space<vmem>> -> memref<32x768xf32, #tpu.memory_space<vmem>>
    %dma_start3A_288 = arith.constant 0 : i32
    %dma_start3A_289 = arith.constant 0 : i32
    %dma_start3A_290 = tpu.memref_slice %arg4[%add3A, %dma_start3A_283, %dma_start3A_288, %dma_start3A_289] : memref<32x32x32x768xf32, #tpu.memory_space<hbm>> -> memref<1x1x32x768xf32, #tpu.memory_space<hbm>>
    %dma_start3A_291 = tpu.memref_squeeze %dma_start3A_290 : memref<1x1x32x768xf32, #tpu.memory_space<hbm>> -> memref<32x768xf32, #tpu.memory_space<hbm>>
    %dma_start3A_292 = arith.constant 0 : i32
    %dma_start3A_293 = arith.constant 0 : i32
    %dma_start3A_294 = tpu.memref_slice %arg4[%add3A, %dma_start3A_283, %dma_start3A_292, %dma_start3A_293] : memref<32x32x32x768xf32, #tpu.memory_space<hbm>> -> memref<1x1x32x768xf32, #tpu.memory_space<hbm>>
    %dma_start3A_295 = tpu.memref_squeeze %dma_start3A_294 : memref<1x1x32x768xf32, #tpu.memory_space<hbm>> -> memref<32x768xf32, #tpu.memory_space<hbm>>
    %dma_start3A_296 = arith.constant 0 : i32
    %dma_start3A_297 = arith.constant 0 : i32
    %dma_start3A_298 = tpu.memref_slice %arg6[%dma_start3A_282, %dma_start3A_296, %dma_start3A_297] : memref<4x32x768xf32, #tpu.memory_space<vmem>> -> memref<1x32x768xf32, #tpu.memory_space<vmem>>
    %dma_start3A_299 = tpu.memref_squeeze %dma_start3A_298 : memref<1x32x768xf32, #tpu.memory_space<vmem>> -> memref<32x768xf32, #tpu.memory_space<vmem>>
    tpu.enqueue_dma source(%dma_start3A_299 : memref<32x768xf32, #tpu.memory_space<vmem>>) target(%dma_start3A_295 : memref<32x768xf32, #tpu.memory_space<hbm>>) target_semaphore(%arg11 : memref<!tpu.dma_semaphore, #tpu.memory_space<semaphore_mem>>)
    %dma_wait3A_300 = arith.constant 3 : i32
    %dma_wait3A_301 = arith.constant 28 : i32
    %dma_wait3A_302 = arith.constant 0 : i32
    %dma_wait3A_303 = arith.constant 0 : i32
    %dma_wait3A_304 = tpu.memref_slice %arg6[%dma_wait3A_300, %dma_wait3A_302, %dma_wait3A_303] : memref<4x32x768xf32, #tpu.memory_space<vmem>> -> memref<1x32x768xf32, #tpu.memory_space<vmem>>
    %dma_wait3A_305 = tpu.memref_squeeze %dma_wait3A_304 : memref<1x32x768xf32, #tpu.memory_space<vmem>> -> memref<32x768xf32, #tpu.memory_space<vmem>>
    %dma_wait3A_306 = arith.constant 0 : i32
    %dma_wait3A_307 = arith.constant 0 : i32
    %dma_wait3A_308 = tpu.memref_slice %arg4[%add3A, %dma_wait3A_301, %dma_wait3A_306, %dma_wait3A_307] : memref<32x32x32x768xf32, #tpu.memory_space<hbm>> -> memref<1x1x32x768xf32, #tpu.memory_space<hbm>>
    %dma_wait3A_309 = tpu.memref_squeeze %dma_wait3A_308 : memref<1x1x32x768xf32, #tpu.memory_space<hbm>> -> memref<32x768xf32, #tpu.memory_space<hbm>>
    %dma_wait3A_310 = arith.constant 0 : i32
    %dma_wait3A_311 = arith.constant 0 : i32
    %dma_wait3A_312 = tpu.memref_slice %arg4[%add3A, %dma_wait3A_301, %dma_wait3A_310, %dma_wait3A_311] : memref<32x32x32x768xf32, #tpu.memory_space<hbm>> -> memref<1x1x32x768xf32, #tpu.memory_space<hbm>>
    %dma_wait3A_313 = tpu.memref_squeeze %dma_wait3A_312 : memref<1x1x32x768xf32, #tpu.memory_space<hbm>> -> memref<32x768xf32, #tpu.memory_space<hbm>>
    %dma_wait3A_314 = arith.constant 0 : i32
    %dma_wait3A_315 = arith.constant 0 : i32
    %dma_wait3A_316 = tpu.memref_slice %arg6[%dma_wait3A_300, %dma_wait3A_314, %dma_wait3A_315] : memref<4x32x768xf32, #tpu.memory_space<vmem>> -> memref<1x32x768xf32, #tpu.memory_space<vmem>>
    %dma_wait3A_317 = tpu.memref_squeeze %dma_wait3A_316 : memref<1x32x768xf32, #tpu.memory_space<vmem>> -> memref<32x768xf32, #tpu.memory_space<vmem>>
    tpu.wait_dma2 semaphore(%arg14 : memref<!tpu.dma_semaphore, #tpu.memory_space<semaphore_mem>>) src(%dma_wait3A_317 : memref<32x768xf32, #tpu.memory_space<vmem>>) dst(%dma_wait3A_313 : memref<32x768xf32, #tpu.memory_space<hbm>>)
    %dma_start3A_318 = arith.constant 3 : i32
    %dma_start3A_319 = arith.constant 0 : i32
    %dma_start3A_320 = arith.constant 0 : i32
    %dma_start3A_321 = tpu.memref_slice %arg6[%dma_start3A_318, %dma_start3A_319, %dma_start3A_320] : memref<4x32x768xf32, #tpu.memory_space<vmem>> -> memref<1x32x768xf32, #tpu.memory_space<vmem>>
    %dma_start3A_322 = tpu.memref_squeeze %dma_start3A_321 : memref<1x32x768xf32, #tpu.memory_space<vmem>> -> memref<32x768xf32, #tpu.memory_space<vmem>>
    %dma_start3A_323 = arith.constant 992 : i32
    %dma_start3A_324 = tpu.memref_slice %arg5[%dma_start3A_323] : memref<1024xi32, #tpu.memory_space<vmem>> -> memref<32xi32, #tpu.memory_space<vmem>>
    %dma_start3A_325 = arith.constant 0 : i32
    %dma_start3A_326 = arith.constant 0 : i32
    %dma_start3A_327 = tpu.memref_slice %arg2[%dma_start3A_325, %dma_start3A_326] : memref<50257x768xf32, #tpu.memory_space<hbm>> -> memref<50257x768xf32, #tpu.memory_space<hbm>>
    tpu.enqueue_indirect_dma source(%dma_start3A_327 : memref<50257x768xf32, #tpu.memory_space<hbm>>) target(%dma_start3A_322 : memref<32x768xf32, #tpu.memory_space<vmem>>) offsets(%dma_start3A_324 : memref<32xi32, #tpu.memory_space<vmem>>) semaphore(%arg10 : memref<!tpu.dma_semaphore, #tpu.memory_space<semaphore_mem>>)
    %dma_wait3A_328 = arith.constant 1 : i32
    %dma_wait3A_329 = arith.constant 0 : i32
    %dma_wait3A_330 = arith.constant 0 : i32
    %dma_wait3A_331 = tpu.memref_slice %arg6[%dma_wait3A_328, %dma_wait3A_329, %dma_wait3A_330] : memref<4x32x768xf32, #tpu.memory_space<vmem>> -> memref<1x32x768xf32, #tpu.memory_space<vmem>>
    %dma_wait3A_332 = tpu.memref_squeeze %dma_wait3A_331 : memref<1x32x768xf32, #tpu.memory_space<vmem>> -> memref<32x768xf32, #tpu.memory_space<vmem>>
    %dma_wait3A_333 = arith.constant 928 : i32
    %dma_wait3A_334 = tpu.memref_slice %arg5[%dma_wait3A_333] : memref<1024xi32, #tpu.memory_space<vmem>> -> memref<32xi32, #tpu.memory_space<vmem>>
    %dma_wait3A_335 = arith.constant 0 : i32
    %dma_wait3A_336 = arith.constant 0 : i32
    %dma_wait3A_337 = tpu.memref_slice %arg2[%dma_wait3A_335, %dma_wait3A_336] : memref<50257x768xf32, #tpu.memory_space<hbm>> -> memref<50257x768xf32, #tpu.memory_space<hbm>>
    tpu.wait_indirect_dma semaphore(%arg8 : memref<!tpu.dma_semaphore, #tpu.memory_space<semaphore_mem>>) src(%dma_wait3A_337 : memref<50257x768xf32, #tpu.memory_space<hbm>>) dst(%dma_wait3A_332 : memref<32x768xf32, #tpu.memory_space<vmem>>)
    %dma_start3A_338 = arith.constant 1 : i32
    %dma_start3A_339 = arith.constant 29 : i32
    %dma_start3A_340 = arith.constant 0 : i32
    %dma_start3A_341 = arith.constant 0 : i32
    %dma_start3A_342 = tpu.memref_slice %arg6[%dma_start3A_338, %dma_start3A_340, %dma_start3A_341] : memref<4x32x768xf32, #tpu.memory_space<vmem>> -> memref<1x32x768xf32, #tpu.memory_space<vmem>>
    %dma_start3A_343 = tpu.memref_squeeze %dma_start3A_342 : memref<1x32x768xf32, #tpu.memory_space<vmem>> -> memref<32x768xf32, #tpu.memory_space<vmem>>
    %dma_start3A_344 = arith.constant 0 : i32
    %dma_start3A_345 = arith.constant 0 : i32
    %dma_start3A_346 = tpu.memref_slice %arg4[%add3A, %dma_start3A_339, %dma_start3A_344, %dma_start3A_345] : memref<32x32x32x768xf32, #tpu.memory_space<hbm>> -> memref<1x1x32x768xf32, #tpu.memory_space<hbm>>
    %dma_start3A_347 = tpu.memref_squeeze %dma_start3A_346 : memref<1x1x32x768xf32, #tpu.memory_space<hbm>> -> memref<32x768xf32, #tpu.memory_space<hbm>>
    %dma_start3A_348 = arith.constant 0 : i32
    %dma_start3A_349 = arith.constant 0 : i32
    %dma_start3A_350 = tpu.memref_slice %arg4[%add3A, %dma_start3A_339, %dma_start3A_348, %dma_start3A_349] : memref<32x32x32x768xf32, #tpu.memory_space<hbm>> -> memref<1x1x32x768xf32, #tpu.memory_space<hbm>>
    %dma_start3A_351 = tpu.memref_squeeze %dma_start3A_350 : memref<1x1x32x768xf32, #tpu.memory_space<hbm>> -> memref<32x768xf32, #tpu.memory_space<hbm>>
    %dma_start3A_352 = arith.constant 0 : i32
    %dma_start3A_353 = arith.constant 0 : i32
    %dma_start3A_354 = tpu.memref_slice %arg6[%dma_start3A_338, %dma_start3A_352, %dma_start3A_353] : memref<4x32x768xf32, #tpu.memory_space<vmem>> -> memref<1x32x768xf32, #tpu.memory_space<vmem>>
    %dma_start3A_355 = tpu.memref_squeeze %dma_start3A_354 : memref<1x32x768xf32, #tpu.memory_space<vmem>> -> memref<32x768xf32, #tpu.memory_space<vmem>>
    tpu.enqueue_dma source(%dma_start3A_355 : memref<32x768xf32, #tpu.memory_space<vmem>>) target(%dma_start3A_351 : memref<32x768xf32, #tpu.memory_space<hbm>>) target_semaphore(%arg12 : memref<!tpu.dma_semaphore, #tpu.memory_space<semaphore_mem>>)
    %dma_wait3A_356 = arith.constant 0 : i32
    %dma_wait3A_357 = arith.constant 29 : i32
    %dma_wait3A_358 = arith.constant 0 : i32
    %dma_wait3A_359 = arith.constant 0 : i32
    %dma_wait3A_360 = tpu.memref_slice %arg6[%dma_wait3A_356, %dma_wait3A_358, %dma_wait3A_359] : memref<4x32x768xf32, #tpu.memory_space<vmem>> -> memref<1x32x768xf32, #tpu.memory_space<vmem>>
    %dma_wait3A_361 = tpu.memref_squeeze %dma_wait3A_360 : memref<1x32x768xf32, #tpu.memory_space<vmem>> -> memref<32x768xf32, #tpu.memory_space<vmem>>
    %dma_wait3A_362 = arith.constant 0 : i32
    %dma_wait3A_363 = arith.constant 0 : i32
    %dma_wait3A_364 = tpu.memref_slice %arg4[%add3A, %dma_wait3A_357, %dma_wait3A_362, %dma_wait3A_363] : memref<32x32x32x768xf32, #tpu.memory_space<hbm>> -> memref<1x1x32x768xf32, #tpu.memory_space<hbm>>
    %dma_wait3A_365 = tpu.memref_squeeze %dma_wait3A_364 : memref<1x1x32x768xf32, #tpu.memory_space<hbm>> -> memref<32x768xf32, #tpu.memory_space<hbm>>
    %dma_wait3A_366 = arith.constant 0 : i32
    %dma_wait3A_367 = arith.constant 0 : i32
    %dma_wait3A_368 = tpu.memref_slice %arg4[%add3A, %dma_wait3A_357, %dma_wait3A_366, %dma_wait3A_367] : memref<32x32x32x768xf32, #tpu.memory_space<hbm>> -> memref<1x1x32x768xf32, #tpu.memory_space<hbm>>
    %dma_wait3A_369 = tpu.memref_squeeze %dma_wait3A_368 : memref<1x1x32x768xf32, #tpu.memory_space<hbm>> -> memref<32x768xf32, #tpu.memory_space<hbm>>
    %dma_wait3A_370 = arith.constant 0 : i32
    %dma_wait3A_371 = arith.constant 0 : i32
    %dma_wait3A_372 = tpu.memref_slice %arg6[%dma_wait3A_356, %dma_wait3A_370, %dma_wait3A_371] : memref<4x32x768xf32, #tpu.memory_space<vmem>> -> memref<1x32x768xf32, #tpu.memory_space<vmem>>
    %dma_wait3A_373 = tpu.memref_squeeze %dma_wait3A_372 : memref<1x32x768xf32, #tpu.memory_space<vmem>> -> memref<32x768xf32, #tpu.memory_space<vmem>>
    tpu.wait_dma2 semaphore(%arg11 : memref<!tpu.dma_semaphore, #tpu.memory_space<semaphore_mem>>) src(%dma_wait3A_373 : memref<32x768xf32, #tpu.memory_space<vmem>>) dst(%dma_wait3A_369 : memref<32x768xf32, #tpu.memory_space<hbm>>)
    %dma_wait3A_374 = arith.constant 2 : i32
    %dma_wait3A_375 = arith.constant 0 : i32
    %dma_wait3A_376 = arith.constant 0 : i32
    %dma_wait3A_377 = tpu.memref_slice %arg6[%dma_wait3A_374, %dma_wait3A_375, %dma_wait3A_376] : memref<4x32x768xf32, #tpu.memory_space<vmem>> -> memref<1x32x768xf32, #tpu.memory_space<vmem>>
    %dma_wait3A_378 = tpu.memref_squeeze %dma_wait3A_377 : memref<1x32x768xf32, #tpu.memory_space<vmem>> -> memref<32x768xf32, #tpu.memory_space<vmem>>
    %dma_wait3A_379 = arith.constant 960 : i32
    %dma_wait3A_380 = tpu.memref_slice %arg5[%dma_wait3A_379] : memref<1024xi32, #tpu.memory_space<vmem>> -> memref<32xi32, #tpu.memory_space<vmem>>
    %dma_wait3A_381 = arith.constant 0 : i32
    %dma_wait3A_382 = arith.constant 0 : i32
    %dma_wait3A_383 = tpu.memref_slice %arg2[%dma_wait3A_381, %dma_wait3A_382] : memref<50257x768xf32, #tpu.memory_space<hbm>> -> memref<50257x768xf32, #tpu.memory_space<hbm>>
    tpu.wait_indirect_dma semaphore(%arg9 : memref<!tpu.dma_semaphore, #tpu.memory_space<semaphore_mem>>) src(%dma_wait3A_383 : memref<50257x768xf32, #tpu.memory_space<hbm>>) dst(%dma_wait3A_378 : memref<32x768xf32, #tpu.memory_space<vmem>>)
    %dma_start3A_384 = arith.constant 2 : i32
    %dma_start3A_385 = arith.constant 30 : i32
    %dma_start3A_386 = arith.constant 0 : i32
    %dma_start3A_387 = arith.constant 0 : i32
    %dma_start3A_388 = tpu.memref_slice %arg6[%dma_start3A_384, %dma_start3A_386, %dma_start3A_387] : memref<4x32x768xf32, #tpu.memory_space<vmem>> -> memref<1x32x768xf32, #tpu.memory_space<vmem>>
    %dma_start3A_389 = tpu.memref_squeeze %dma_start3A_388 : memref<1x32x768xf32, #tpu.memory_space<vmem>> -> memref<32x768xf32, #tpu.memory_space<vmem>>
    %dma_start3A_390 = arith.constant 0 : i32
    %dma_start3A_391 = arith.constant 0 : i32
    %dma_start3A_392 = tpu.memref_slice %arg4[%add3A, %dma_start3A_385, %dma_start3A_390, %dma_start3A_391] : memref<32x32x32x768xf32, #tpu.memory_space<hbm>> -> memref<1x1x32x768xf32, #tpu.memory_space<hbm>>
    %dma_start3A_393 = tpu.memref_squeeze %dma_start3A_392 : memref<1x1x32x768xf32, #tpu.memory_space<hbm>> -> memref<32x768xf32, #tpu.memory_space<hbm>>
    %dma_start3A_394 = arith.constant 0 : i32
    %dma_start3A_395 = arith.constant 0 : i32
    %dma_start3A_396 = tpu.memref_slice %arg4[%add3A, %dma_start3A_385, %dma_start3A_394, %dma_start3A_395] : memref<32x32x32x768xf32, #tpu.memory_space<hbm>> -> memref<1x1x32x768xf32, #tpu.memory_space<hbm>>
    %dma_start3A_397 = tpu.memref_squeeze %dma_start3A_396 : memref<1x1x32x768xf32, #tpu.memory_space<hbm>> -> memref<32x768xf32, #tpu.memory_space<hbm>>
    %dma_start3A_398 = arith.constant 0 : i32
    %dma_start3A_399 = arith.constant 0 : i32
    %dma_start3A_400 = tpu.memref_slice %arg6[%dma_start3A_384, %dma_start3A_398, %dma_start3A_399] : memref<4x32x768xf32, #tpu.memory_space<vmem>> -> memref<1x32x768xf32, #tpu.memory_space<vmem>>
    %dma_start3A_401 = tpu.memref_squeeze %dma_start3A_400 : memref<1x32x768xf32, #tpu.memory_space<vmem>> -> memref<32x768xf32, #tpu.memory_space<vmem>>
    tpu.enqueue_dma source(%dma_start3A_401 : memref<32x768xf32, #tpu.memory_space<vmem>>) target(%dma_start3A_397 : memref<32x768xf32, #tpu.memory_space<hbm>>) target_semaphore(%arg13 : memref<!tpu.dma_semaphore, #tpu.memory_space<semaphore_mem>>)
    %dma_wait3A_402 = arith.constant 1 : i32
    %dma_wait3A_403 = arith.constant 30 : i32
    %dma_wait3A_404 = arith.constant 0 : i32
    %dma_wait3A_405 = arith.constant 0 : i32
    %dma_wait3A_406 = tpu.memref_slice %arg6[%dma_wait3A_402, %dma_wait3A_404, %dma_wait3A_405] : memref<4x32x768xf32, #tpu.memory_space<vmem>> -> memref<1x32x768xf32, #tpu.memory_space<vmem>>
    %dma_wait3A_407 = tpu.memref_squeeze %dma_wait3A_406 : memref<1x32x768xf32, #tpu.memory_space<vmem>> -> memref<32x768xf32, #tpu.memory_space<vmem>>
    %dma_wait3A_408 = arith.constant 0 : i32
    %dma_wait3A_409 = arith.constant 0 : i32
    %dma_wait3A_410 = tpu.memref_slice %arg4[%add3A, %dma_wait3A_403, %dma_wait3A_408, %dma_wait3A_409] : memref<32x32x32x768xf32, #tpu.memory_space<hbm>> -> memref<1x1x32x768xf32, #tpu.memory_space<hbm>>
    %dma_wait3A_411 = tpu.memref_squeeze %dma_wait3A_410 : memref<1x1x32x768xf32, #tpu.memory_space<hbm>> -> memref<32x768xf32, #tpu.memory_space<hbm>>
    %dma_wait3A_412 = arith.constant 0 : i32
    %dma_wait3A_413 = arith.constant 0 : i32
    %dma_wait3A_414 = tpu.memref_slice %arg4[%add3A, %dma_wait3A_403, %dma_wait3A_412, %dma_wait3A_413] : memref<32x32x32x768xf32, #tpu.memory_space<hbm>> -> memref<1x1x32x768xf32, #tpu.memory_space<hbm>>
    %dma_wait3A_415 = tpu.memref_squeeze %dma_wait3A_414 : memref<1x1x32x768xf32, #tpu.memory_space<hbm>> -> memref<32x768xf32, #tpu.memory_space<hbm>>
    %dma_wait3A_416 = arith.constant 0 : i32
    %dma_wait3A_417 = arith.constant 0 : i32
    %dma_wait3A_418 = tpu.memref_slice %arg6[%dma_wait3A_402, %dma_wait3A_416, %dma_wait3A_417] : memref<4x32x768xf32, #tpu.memory_space<vmem>> -> memref<1x32x768xf32, #tpu.memory_space<vmem>>
    %dma_wait3A_419 = tpu.memref_squeeze %dma_wait3A_418 : memref<1x32x768xf32, #tpu.memory_space<vmem>> -> memref<32x768xf32, #tpu.memory_space<vmem>>
    tpu.wait_dma2 semaphore(%arg12 : memref<!tpu.dma_semaphore, #tpu.memory_space<semaphore_mem>>) src(%dma_wait3A_419 : memref<32x768xf32, #tpu.memory_space<vmem>>) dst(%dma_wait3A_415 : memref<32x768xf32, #tpu.memory_space<hbm>>)
    %dma_wait3A_420 = arith.constant 3 : i32
    %dma_wait3A_421 = arith.constant 0 : i32
    %dma_wait3A_422 = arith.constant 0 : i32
    %dma_wait3A_423 = tpu.memref_slice %arg6[%dma_wait3A_420, %dma_wait3A_421, %dma_wait3A_422] : memref<4x32x768xf32, #tpu.memory_space<vmem>> -> memref<1x32x768xf32, #tpu.memory_space<vmem>>
    %dma_wait3A_424 = tpu.memref_squeeze %dma_wait3A_423 : memref<1x32x768xf32, #tpu.memory_space<vmem>> -> memref<32x768xf32, #tpu.memory_space<vmem>>
    %dma_wait3A_425 = arith.constant 992 : i32
    %dma_wait3A_426 = tpu.memref_slice %arg5[%dma_wait3A_425] : memref<1024xi32, #tpu.memory_space<vmem>> -> memref<32xi32, #tpu.memory_space<vmem>>
    %dma_wait3A_427 = arith.constant 0 : i32
    %dma_wait3A_428 = arith.constant 0 : i32
    %dma_wait3A_429 = tpu.memref_slice %arg2[%dma_wait3A_427, %dma_wait3A_428] : memref<50257x768xf32, #tpu.memory_space<hbm>> -> memref<50257x768xf32, #tpu.memory_space<hbm>>
    tpu.wait_indirect_dma semaphore(%arg10 : memref<!tpu.dma_semaphore, #tpu.memory_space<semaphore_mem>>) src(%dma_wait3A_429 : memref<50257x768xf32, #tpu.memory_space<hbm>>) dst(%dma_wait3A_424 : memref<32x768xf32, #tpu.memory_space<vmem>>)
    %dma_start3A_430 = arith.constant 3 : i32
    %dma_start3A_431 = arith.constant 31 : i32
    %dma_start3A_432 = arith.constant 0 : i32
    %dma_start3A_433 = arith.constant 0 : i32
    %dma_start3A_434 = tpu.memref_slice %arg6[%dma_start3A_430, %dma_start3A_432, %dma_start3A_433] : memref<4x32x768xf32, #tpu.memory_space<vmem>> -> memref<1x32x768xf32, #tpu.memory_space<vmem>>
    %dma_start3A_435 = tpu.memref_squeeze %dma_start3A_434 : memref<1x32x768xf32, #tpu.memory_space<vmem>> -> memref<32x768xf32, #tpu.memory_space<vmem>>
    %dma_start3A_436 = arith.constant 0 : i32
    %dma_start3A_437 = arith.constant 0 : i32
    %dma_start3A_438 = tpu.memref_slice %arg4[%add3A, %dma_start3A_431, %dma_start3A_436, %dma_start3A_437] : memref<32x32x32x768xf32, #tpu.memory_space<hbm>> -> memref<1x1x32x768xf32, #tpu.memory_space<hbm>>
    %dma_start3A_439 = tpu.memref_squeeze %dma_start3A_438 : memref<1x1x32x768xf32, #tpu.memory_space<hbm>> -> memref<32x768xf32, #tpu.memory_space<hbm>>
    %dma_start3A_440 = arith.constant 0 : i32
    %dma_start3A_441 = arith.constant 0 : i32
    %dma_start3A_442 = tpu.memref_slice %arg4[%add3A, %dma_start3A_431, %dma_start3A_440, %dma_start3A_441] : memref<32x32x32x768xf32, #tpu.memory_space<hbm>> -> memref<1x1x32x768xf32, #tpu.memory_space<hbm>>
    %dma_start3A_443 = tpu.memref_squeeze %dma_start3A_442 : memref<1x1x32x768xf32, #tpu.memory_space<hbm>> -> memref<32x768xf32, #tpu.memory_space<hbm>>
    %dma_start3A_444 = arith.constant 0 : i32
    %dma_start3A_445 = arith.constant 0 : i32
    %dma_start3A_446 = tpu.memref_slice %arg6[%dma_start3A_430, %dma_start3A_444, %dma_start3A_445] : memref<4x32x768xf32, #tpu.memory_space<vmem>> -> memref<1x32x768xf32, #tpu.memory_space<vmem>>
    %dma_start3A_447 = tpu.memref_squeeze %dma_start3A_446 : memref<1x32x768xf32, #tpu.memory_space<vmem>> -> memref<32x768xf32, #tpu.memory_space<vmem>>
    tpu.enqueue_dma source(%dma_start3A_447 : memref<32x768xf32, #tpu.memory_space<vmem>>) target(%dma_start3A_443 : memref<32x768xf32, #tpu.memory_space<hbm>>) target_semaphore(%arg14 : memref<!tpu.dma_semaphore, #tpu.memory_space<semaphore_mem>>)
    %dma_wait3A_448 = arith.constant 2 : i32
    %dma_wait3A_449 = arith.constant 31 : i32
    %dma_wait3A_450 = arith.constant 0 : i32
    %dma_wait3A_451 = arith.constant 0 : i32
    %dma_wait3A_452 = tpu.memref_slice %arg6[%dma_wait3A_448, %dma_wait3A_450, %dma_wait3A_451] : memref<4x32x768xf32, #tpu.memory_space<vmem>> -> memref<1x32x768xf32, #tpu.memory_space<vmem>>
    %dma_wait3A_453 = tpu.memref_squeeze %dma_wait3A_452 : memref<1x32x768xf32, #tpu.memory_space<vmem>> -> memref<32x768xf32, #tpu.memory_space<vmem>>
    %dma_wait3A_454 = arith.constant 0 : i32
    %dma_wait3A_455 = arith.constant 0 : i32
    %dma_wait3A_456 = tpu.memref_slice %arg4[%add3A, %dma_wait3A_449, %dma_wait3A_454, %dma_wait3A_455] : memref<32x32x32x768xf32, #tpu.memory_space<hbm>> -> memref<1x1x32x768xf32, #tpu.memory_space<hbm>>
    %dma_wait3A_457 = tpu.memref_squeeze %dma_wait3A_456 : memref<1x1x32x768xf32, #tpu.memory_space<hbm>> -> memref<32x768xf32, #tpu.memory_space<hbm>>
    %dma_wait3A_458 = arith.constant 0 : i32
    %dma_wait3A_459 = arith.constant 0 : i32
    %dma_wait3A_460 = tpu.memref_slice %arg4[%add3A, %dma_wait3A_449, %dma_wait3A_458, %dma_wait3A_459] : memref<32x32x32x768xf32, #tpu.memory_space<hbm>> -> memref<1x1x32x768xf32, #tpu.memory_space<hbm>>
    %dma_wait3A_461 = tpu.memref_squeeze %dma_wait3A_460 : memref<1x1x32x768xf32, #tpu.memory_space<hbm>> -> memref<32x768xf32, #tpu.memory_space<hbm>>
    %dma_wait3A_462 = arith.constant 0 : i32
    %dma_wait3A_463 = arith.constant 0 : i32
    %dma_wait3A_464 = tpu.memref_slice %arg6[%dma_wait3A_448, %dma_wait3A_462, %dma_wait3A_463] : memref<4x32x768xf32, #tpu.memory_space<vmem>> -> memref<1x32x768xf32, #tpu.memory_space<vmem>>
    %dma_wait3A_465 = tpu.memref_squeeze %dma_wait3A_464 : memref<1x32x768xf32, #tpu.memory_space<vmem>> -> memref<32x768xf32, #tpu.memory_space<vmem>>
    tpu.wait_dma2 semaphore(%arg13 : memref<!tpu.dma_semaphore, #tpu.memory_space<semaphore_mem>>) src(%dma_wait3A_465 : memref<32x768xf32, #tpu.memory_space<vmem>>) dst(%dma_wait3A_461 : memref<32x768xf32, #tpu.memory_space<hbm>>)
    %dma_wait3A_466 = arith.constant 3 : i32
    %dma_wait3A_467 = arith.constant 31 : i32
    %dma_wait3A_468 = arith.constant 0 : i32
    %dma_wait3A_469 = arith.constant 0 : i32
    %dma_wait3A_470 = tpu.memref_slice %arg6[%dma_wait3A_466, %dma_wait3A_468, %dma_wait3A_469] : memref<4x32x768xf32, #tpu.memory_space<vmem>> -> memref<1x32x768xf32, #tpu.memory_space<vmem>>
    %dma_wait3A_471 = tpu.memref_squeeze %dma_wait3A_470 : memref<1x32x768xf32, #tpu.memory_space<vmem>> -> memref<32x768xf32, #tpu.memory_space<vmem>>
    %dma_wait3A_472 = arith.constant 0 : i32
    %dma_wait3A_473 = arith.constant 0 : i32
    %dma_wait3A_474 = tpu.memref_slice %arg4[%add3A, %dma_wait3A_467, %dma_wait3A_472, %dma_wait3A_473] : memref<32x32x32x768xf32, #tpu.memory_space<hbm>> -> memref<1x1x32x768xf32, #tpu.memory_space<hbm>>
    %dma_wait3A_475 = tpu.memref_squeeze %dma_wait3A_474 : memref<1x1x32x768xf32, #tpu.memory_space<hbm>> -> memref<32x768xf32, #tpu.memory_space<hbm>>
    %dma_wait3A_476 = arith.constant 0 : i32
    %dma_wait3A_477 = arith.constant 0 : i32
    %dma_wait3A_478 = tpu.memref_slice %arg4[%add3A, %dma_wait3A_467, %dma_wait3A_476, %dma_wait3A_477] : memref<32x32x32x768xf32, #tpu.memory_space<hbm>> -> memref<1x1x32x768xf32, #tpu.memory_space<hbm>>
    %dma_wait3A_479 = tpu.memref_squeeze %dma_wait3A_478 : memref<1x1x32x768xf32, #tpu.memory_space<hbm>> -> memref<32x768xf32, #tpu.memory_space<hbm>>
    %dma_wait3A_480 = arith.constant 0 : i32
    %dma_wait3A_481 = arith.constant 0 : i32
    %dma_wait3A_482 = tpu.memref_slice %arg6[%dma_wait3A_466, %dma_wait3A_480, %dma_wait3A_481] : memref<4x32x768xf32, #tpu.memory_space<vmem>> -> memref<1x32x768xf32, #tpu.memory_space<vmem>>
    %dma_wait3A_483 = tpu.memref_squeeze %dma_wait3A_482 : memref<1x32x768xf32, #tpu.memory_space<vmem>> -> memref<32x768xf32, #tpu.memory_space<vmem>>
    tpu.wait_dma2 semaphore(%arg14 : memref<!tpu.dma_semaphore, #tpu.memory_space<semaphore_mem>>) src(%dma_wait3A_483 : memref<32x768xf32, #tpu.memory_space<vmem>>) dst(%dma_wait3A_479 : memref<32x768xf32, #tpu.memory_space<hbm>>)
    return
  }
}

</mosaic_0001>

<sc_bundles>
// kernel: kernel.3.cloned.1.call-start
scs
__scs_entry_jumppad:
0x0: {  	(pc) =	sbr.rel $0x88, $3  }
0x1: {  	(tag) =	ssettag $0x0;
	lr =	simm.s32 $0x1  }
0x2: {  	[smem:$0x3F9F] =	sst lr;
	_ =	strace $0xD0000000  }
0x3: {  	_ = 	snop  }
0x4: {  	_ = 	snop  }
0x5: {  	_ = 	snop  }
0x6: {  	_ = 	snop  }
0x7: {  	_ = 	snop  }
__scs_overlays_trampoline_lowered:
0x8: {  	[smem:$0x3FAE] =	sst s0  }
0x9: {  	[smem:$0x3FAF] =	sst s1  }
0xa: {  	[smem:$0x3FB0] =	sst s2  }
0xb: {  	[smem:$0x3FB1] =	sst s3  }
0xc: {  	[smem:$0x3FB2] =	sst s4  }
0xd: {  	[smem:$0x3FB3] =	sst s5  }
0xe: {  	[smem:$0x3FB4] =	sst s6  }
0xf: {  	[smem:$0x3FB5] =	sst s7  }
0x10: {  	[smem:$0x3FB6] =	sst s8  }
0x11: {  	[smem:$0x3FB7] =	sst s9;
	s0 =	simm.s32 @!p0 $0x0  }
0x12: {  	s1 =	sld [smem:$0x3F9D];
	s0 =	simm.s32 @p0 $0x1  }
0x13: {  	[smem:$0x3FB8] =	sst s0;
	s0 =	simm.s32 @!p1 $0x0  }
0x14: {  	s2 =	sld [smem:$0x3F9C];
	s0 =	simm.s32 @p1 $0x1  }
0x15: {  	[smem:$0x3FB9] =	sst s0;
	s0 =	simm.s32 @!p2 $0x0  }
0x16: {  	s3 =	sld [smem:$0x3FDB];
	s0 =	simm.s32 @p2 $0x1  }
0x17: {  	s4 =	simm.s32 $0x1BF5;
	[smem:$0x3FBB] =	sst s0  }
0x18: {  	s0 =	sld [smem:$0x3F9E];
	_ =	swait.ge [sflag:s4], $0x0  }
0x19: {  	s7 =	sld [smem:$0x3F9F]  }
0x1a: {  	s8 =	sadd.s32 $0xFFFFE003, lr  }
0x1b: {  	s9 =	sadd.s32 $0xFFFFFEF7, lr;
	s5 =	simm.s32 $0xFFFFFFFF;
	p2 =	slt.u32 s8, $0xFFFFF086  }
0x1c: {  	p1 =	slt.u32 s9, $0xF7A;
	s5 =	simm.s32 @!p2 $0x0  }
0x1d: {  	s5 =	simm.s32 @p1 $0x1;
	p0 =	seq.s32 s7, s2  }
0x1e: {  	s7 =	smul.u32 @!p0 $0xF7A, s2;
	p2 =	seq.s32 @!p0 s5, $0x0  }
0x1f: {  	s9 =	smul.u32 $0xF7A, s1;
	s8 =	simm.s32 @!p0 $0x1BF5;
	p2 =	por !p2, p0  }
0x20: {  	[sflag:s8] =	ssyncset.s32 @!p0 $0xFFFFF086;
	s6 =	sadd.s32 @!p0 s3, s7;
	s7 =	simm.s32 @!p0 $0x108  }
0x21: {  	s3 =	sadd.s32 s3, s9;
	s6 =	sadd.s32 @!p0 $0x88, s6;
	s7 =	simm.s32 @p2 $0x1082  }
0x22: {  	[simem:s7], [sflag:s8] =	dma.local @!p0 [hbm:s6], $0xF7A  }
0x23: {  	s9 =	sor.u32 $0xD0000000, s2;
	s6 =	simm.s32 $0x108;
	_ =	swait.ge @!p0 [sflag:s8], $0x0  }
0x24: {  	s3 =	sadd.s32 $0x88, s3;
	s6 =	simm.s32 @!p1 $0x1082;
	[sflag:s4] =	ssyncset.s32 $0xFFFFF086  }
0x25: {  	[simem:s6], [sflag:s4] =	dma.local [hbm:s3], $0xF7A  }
0x26: {  	[smem:$0x3F9F] =	sst s1;
	(tag) =	ssettag s2;
	_ =	strace s9  }
0x27: {  	s1 =	sld [smem:$0x3FAF]  }
0x28: {  	s2 =	sld [smem:$0x3FB0]  }
0x29: {  	s4 =	sld [smem:$0x3FB2]  }
0x2a: {  	p0 =	seq.s32 s5, $0x0;
	s5 =	sld [smem:$0x3FB3]  }
0x2b: {  	s6 =	sld [smem:$0x3FB4]  }
0x2c: {  	s7 =	sld [smem:$0x3FB5]  }
0x2d: {  	s3 =	simm.s32 $0x108;
	s8 =	sld [smem:$0x3FB6]  }
0x2e: {  	s3 =	simm.s32 @!p0 $0x1082;
	s9 =	sld [smem:$0x3FB7]  }
0x2f: {  	lr =	sadd.s32 s0, s3;
	s0 =	sld [smem:$0x3FAE]  }
0x30: {  	s3 =	sld [smem:$0x3FB1]  }
0x31: {  	[smem:$0x3FBA] =	sst s10  }
0x32: {  	s10 =	sld [smem:$0x3FB8];
	_ =	sdelay $0x3  }
0x33: {  	p0 =	seq.s32 s10, $0x1;
	s10 =	sld [smem:$0x3FBA];
	_ =	sdelay $0x3  }
0x34: {  	[smem:$0x3FBA] =	sst s10  }
0x35: {  	s10 =	sld [smem:$0x3FB9];
	_ =	sdelay $0x3  }
0x36: {  	p1 =	seq.s32 s10, $0x1;
	s10 =	sld [smem:$0x3FBA];
	_ =	sdelay $0x3  }
0x37: {  	[smem:$0x3FBA] =	sst s10  }
0x38: {  	s10 =	sld [smem:$0x3FBB]  }
0x39: {  	_ = 	snop;
	(pc) =	sbr.ind lr, $3  }
0x3a: {  	_ = 	snop  }
0x3b: {  	_ = 	snop  }
0x3c: {  	p2 =	seq.s32 s10, $0x1;
	s10 =	sld [smem:$0x3FBA]  }
0x3d: {  	_ =	shalt  }
0x3e: {  	_ =	shalt  }
0x3f: {  	_ =	shalt  }
0x40: {  	_ =	shalt  }
0x41: {  	_ =	shalt  }
0x42: {  	_ =	shalt  }
0x43: {  	_ =	shalt  }
0x44: {  	_ =	shalt  }
0x45: {  	_ =	shalt  }
0x46: {  	_ =	shalt  }
0x47: {  	_ =	shalt  }
0x48: {  	_ =	shalt  }
0x49: {  	_ =	shalt  }
0x4a: {  	_ =	shalt  }
0x4b: {  	_ =	shalt  }
0x4c: {  	_ =	shalt  }
0x4d: {  	_ =	shalt  }
0x4e: {  	_ =	shalt  }
0x4f: {  	_ =	shalt  }
0x50: {  	_ =	shalt  }
0x51: {  	_ =	shalt  }
0x52: {  	_ =	shalt  }
0x53: {  	_ =	shalt  }
0x54: {  	_ =	shalt  }
0x55: {  	_ =	shalt  }
0x56: {  	_ =	shalt  }
0x57: {  	_ =	shalt  }
0x58: {  	_ =	shalt  }
0x59: {  	_ =	shalt  }
0x5a: {  	_ =	shalt  }
0x5b: {  	_ =	shalt  }
0x5c: {  	_ =	shalt  }
0x5d: {  	_ =	shalt  }
0x5e: {  	_ =	shalt  }
0x5f: {  	_ =	shalt  }
0x60: {  	_ =	shalt  }
0x61: {  	_ =	shalt  }
0x62: {  	_ =	shalt  }
0x63: {  	_ =	shalt  }
0x64: {  	_ =	shalt  }
0x65: {  	_ =	shalt  }
0x66: {  	_ =	shalt  }
0x67: {  	_ =	shalt  }
0x68: {  	_ =	shalt  }
0x69: {  	_ =	shalt  }
0x6a: {  	_ =	shalt  }
0x6b: {  	_ =	shalt  }
0x6c: {  	_ =	shalt  }
0x6d: {  	_ =	shalt  }
0x6e: {  	_ =	shalt  }
0x6f: {  	_ =	shalt  }
0x70: {  	_ =	shalt  }
0x71: {  	_ =	shalt  }
0x72: {  	_ =	shalt  }
0x73: {  	_ =	shalt  }
0x74: {  	_ =	shalt  }
0x75: {  	_ =	shalt  }
0x76: {  	_ =	shalt  }
0x77: {  	_ =	shalt  }
0x78: {  	_ =	shalt  }
0x79: {  	_ =	shalt  }
0x7a: {  	_ =	shalt  }
0x7b: {  	_ =	shalt  }
0x7c: {  	_ =	shalt  }
0x7d: {  	_ =	shalt  }
0x7e: {  	_ =	shalt  }
0x7f: {  	_ =	shalt  }
0x80: {  	_ =	shalt  }
0x81: {  	_ =	shalt  }
0x82: {  	_ =	shalt  }
0x83: {  	_ =	shalt  }
0x84: {  	_ =	shalt  }
0x85: {  	_ =	shalt  }
0x86: {  	_ =	shalt  }
0x87: {  	_ =	shalt  }
.Lfunc_end0:
.L_simem_size_0:
called_computation_lowered:
.L_overlay_start_0:
0x88: {  	s2 =	sld [smem:$0x3FD9]  }
0x89: {  	s3 =	sld [smem:$0x3FFE];
	_ =	sdelay $0x1  }
0x8a: {  	s1 =	srdreg.scid  }
0x8b: {  	s0 =	sand.u32 $0x1, s1  }
0x8c: {  	s18 =	sshll.u32 s0, $0xA;
	s2 =	sadd.s32 s3, s2  }
0x8d: {  	s2 =	sadd.s32 s2, s18  }
0x8e: {  	[smem:$0x3FC6] =	sst s2  }
0x8f: {  	_ = 	snop  }
0x90: {  	s2 =	sld [smem:$0x3FC9]  }
0x91: {  	s19 =	sld [smem:$0x3FC8]  }
0x92: {  	s4 =	sld [smem:$0x3FD0];
	(tm) =	ssettm $0x1  }
0x93: {  	s5 =	sld [smem:$0x3FFB];
	_ =	sdelay $0x3  }
0x94: {  	_ =	strace s5  }
0x95: {  	s5 =	sld [smem:$0x3FFC];
	_ =	sdelay $0x3  }
0x96: {  	_ =	strace s5  }
0x97: {  	s5 =	sld [smem:$0x3FFD];
	_ =	sdelay $0x3  }
0x98: {  	_ =	strace s5  }
0x99: {  	_ =	strace $0x8FFFFFFF  }
0x9a: {  	s20 =	sld [smem:$0x3FDB];
	_ =	sdelay $0x1  }
0x9b: {  	s6 =	simm.s32 $_scs_section_size  }
0x9c: {  	s7 =	simm.s32 $_size__tile_overlayer_lowered;
	s8 =	simm.s32 $_tile_overlayer_lowered  }
0x9d: {  	s23 =	simm.s32 $0x1BFF;
	s22 =	sshll.u32 s8, $0x1;
	s5 =	sadd.s32 s6, s20  }
0x9e: {  	s9 =	simm.s32 $0x0;
	s21 =	sshll.u32 s7, $0x1;
	s7 =	sadd.s32 s22, s5  }
0x9f: {  	[timem:s9], [sflag:s23] =	dma.local [hbm:s7], s21  }
0xa0: {  	_ =	swait.ge [sflag:s23], s21  }
0xa1: {  	s6 =	ssub.s32 $0x0, s21;
	[sflag:s23] =	ssyncset.done $0x0  }
0xa2: {  	[sflag:s23] =	ssyncadd.s32 s6;
	_ =	sdelay $0x1  }
0xa3: {  	s24 =	simm.s32 $0x1B8B  }
0xa4: {  	_ =	swait.ge [sflag:s24], $0x1  }
0xa5: {  	[sflag:s24] =	ssyncset.done $0x0  }
0xa6: {  	s25 =	simm.s32 $0x1B8E;
	[sflag:s24] =	ssyncadd.s32 $0xFFFFFFFF  }
0xa7: {  	s26 =	simm.s32 $execute0_lowered;
	[smem:$0x3FD2] =	sst s25  }
0xa8: {  	s6 =	sshll.u32 s26, $0x1;
	_ =	strace $0x80000046;
	[dreg:$0x1] =	wrdreg $0xFFFFFFFF  }
0xa9: {  	s28 =	simm.s32 $_size_execute0_lowered;
	s5 =	sadd.s32 s5, s6;
	[dreg:$0x0] =	wrdreg $0x0  }
0xaa: {  	s6 =	sshll.u32 s28, $0x1;
	[dreg:$0x2] =	wrdreg s5  }
0xab: {  	[dreg:$0x3] =	wrdreg s6  }
0xac: {  	[dreg:$0x4] =	wrdreg $0xC0  }
0xad: {  	_ =	task [dreg:s9], $0x5FFFF  }
0xae: {  	[dreg:$0x1] =	wrdreg $0xFFFFFFFF  }
0xaf: {  	[dreg:$0x0] =	wrdreg $0x60  }
0xb0: {  	[dreg:$0x2] =	wrdreg s19  }
0xb1: {  	[dreg:$0x3] =	wrdreg s2  }
0xb2: {  	[dreg:$0x4] =	wrdreg s4  }
0xb3: {  	[dreg:$0x5] =	wrdreg $0x9  }
0xb4: {  	_ =	task.clear_ibuf [dreg:s9], $0x6FFFF;
	_ =	strace $0x90000046  }
0xb5: {  	s29 =	simm.s32 $0x9;
	_ =	strace $0x80000048  }
0xb6: {  	_ =	swait.ge [sflag:s29], $0x1  }
0xb7: {  	[sflag:s29] =	ssyncadd.s32 $0xFFFFFFFF  }
0xb8: {  	_ =	strace $0x90000048  }
0xb9: {  	_ =	sfence  }
0xba: {  	s30 =	sld [smem:$0x0];
	_ =	sdelay $0x2  }
0xbb: {  	s31 =	sshll.u32 s1, $0xD;
	s1 =	sshrl.u32 s1, $0x2  }
0xbc: {  	s3 =	sand.u32 $0x4000, s31;
	s1 =	sadd.s32 s1, s30  }
0xbd: {  	s0 =	sor.u32 s3, s0;
	s1 =	sshll.u32 s1, $0x11  }
0xbe: {  	s0 =	sor.u32 s1, s0  }
0xbf: {  	s0 =	sadd.s32 $0x8F2B, s0  }
0xc0: {  	[sflag:s0] =	ssyncadd.remote.s32 $0x1  }
0xc1: {  	_ =	sfence.sel $0xFFFF  }
0xc2: {  	[dreg:$0x0] =	wrdreg $0xFFFFFFFF;
	(pc) =	sbr.abs _section_cstart, $3  }
0xc3: {  	[dreg:$0x1] =	wrdreg $0xFFFFFFFF  }
0xc4: {  	_ =	task.clear_ibuf [dreg:s9], $0x2FFFF;
	_ =	strace $0x9FFFFFFF  }
0xc5: {  	(tm) =	ssettm $0x7FFFFFFF  }
tec
execute0_lowered:
.L_overlay_start_1:
0x0: {  	(tag) =	ssettag $0x1  }
0x1: {  	s1 =	rddreg [dreg:$0x0]  }
0x2: {  	s0 =	rddreg [dreg:$0x1]  }
0x3: {  	s2 =	rddreg [dreg:$0x2];
	s4 =	srdreg.scid;
	s3 =	simm.s32 $0x0  }
0x4: {  	s9 =	stileid.u32;
	s30 =	simm.s32 $0x1;
	s4 =	sand.u32 $0x1, s4  }
0x5: {  	[smem:$0x7FF] =	sst s3;
	s6 =	sshll.u32 s9, $0x1;
	s14 =	sshll.u32 s9, $0x2  }
0x6: {  	s9 =	smul.u32 $0x180000, s9;
	s5 =	ssub.s32 $0x2, s4;
	_ =	strace $0x80000047  }
0x7: {  	s6 =	sor.u32 s4, s6;
	s4 =	smul.u32 $0xC0000, s4;
	s7 =	sshrl.u32 s5, $0x1  }
0x8: {  	s8 =	smul.u32 $0xC0000, s6;
	s6 =	sshll.u32 s6, $0x9;
	s7 =	ssub.s32 s5, s7  }
0x9: {  	s5 =	sand.u32 $0x30, s14;
	s6 =	sand.u32 $0xE00, s6;
	s16 =	sadd.s32 s4, s9  }
0xa: {  	s0 =	sadd.s32 s0, s5;
	s5 =	sadd.s32 $0x100, s1;
	s31 =	smax.u32 s7, $0x1  }
0xb: {  	s15 =	sshrl.u32 s8, $0x3;
	s0 =	sadd.s32 s6, s0;
	[dreg:$0x11] =	wrdreg s31  }
0xc: {  	s19 =	sor.u32 $0x2A000, s16;
	s10 =	sadd.s32 s2, s15;
	[dreg:$0x8] =	wrdreg s0  }
0xd: {  	s23 =	sor.u32 $0x18000, s16;
	s17 =	sadd.s32 $0xC00, s10;
	[dreg:$0x9] =	wrdreg s10  }
0xe: {  	s25 =	sor.u32 $0x1E000, s16;
	s18 =	sadd.s32 $0x1800, s10;
	[dreg:$0xa] =	wrdreg s17  }
0xf: {  	s7 =	simm.s32 $0x2;
	s20 =	sadd.s32 $0x2400, s10;
	[dreg:$0xb] =	wrdreg s18  }
0x10: {  	s6 =	sadd.s32 $0x200, s1;
	s21 =	sadd.s32 $0x15000, s10;
	[dreg:$0xc] =	wrdreg s20  }
0x11: {  	s4 =	sshrl.u32 s19, $0x3;
	s22 =	sadd.s32 $0x15C00, s10;
	[dreg:$0xd] =	wrdreg s21  }
0x12: {  	s24 =	sshrl.u32 s23, $0x3;
	s4 =	sadd.s32 s4, s2;
	[dreg:$0xe] =	wrdreg s22  }
0x13: {  	s8 =	sshrl.u32 s25, $0x3;
	s28 =	sadd.s32 $0x16800, s10;
	[dreg:$0x4] =	wrdreg s4  }
0x14: {  	s23 =	simm.s32 $0x7;
	s26 =	sadd.s32 s8, s2;
	[dreg:$0xf] =	wrdreg s28  }
0x15: {  	s0 =	sor.u32 $0x24000, s16;
	s29 =	sadd.s32 $0x17400, s10;
	[dreg:$0x6] =	wrdreg s26  }
0x16: {  	s4 =	sadd.s32 s24, s2;
	s0 =	sshrl.u32 s0, $0x3;
	[dreg:$0x10] =	wrdreg s29  }
0x17: {  	v2 =	vlaneseq.u32;
	s18 =	simm.s32 $0x5;
	s20 =	simm.s32 $0x3;
	s21 =	simm.s32 $0x6  }
0x18: {  	vm0 =	vmmov $0xffff;
	v1 =	vshrl.u32 v2, $0x3;
	s22 =	simm.s32 $0x4;
	[dreg:$0x5] =	wrdreg s4;
	s0 =	sadd.s32 s0, s2  }
0x19: {  	v0 =	vand.u32 $0x7, v2;
	v2 =	vor.u32 $0x8, v2;
	v1 =	vmul.u32 $0x8, v1;
	s24 =	simm.s32 $0x8;
	s2 =	simm.s32 $0x0;
	[dreg:$0x7] =	wrdreg s0  }
.LBB2_1:
0x1a: {  	[dreg:$0x12] =	wrdreg s2  }
0x1b: {  	s25 =	rddreg [dreg:$0x8]  }
0x1c: {  	s26 =	simm.s32 $0x80;
	s28 =	simm.s32 $0x200;
	s15 =	simm.s32 $0x9  }
0x1d: {  	[tilespmem:s3], [sflag:$0x9] =	stream.strided.gather [hbm4b:s25+s26], $0x400, s28, s26, $0x38;
	[tilespmem:$0x18400] =	vst v63  }
0x1e: {  	_ =	swait.ge [sflag:s15], $0x400  }
0x1f: {  	[sflag:s15] =	ssyncset.done $0x0  }
0x20: {  	[sflag:s15] =	ssyncadd.s32 $0xFFFFFC00  }
0x21: {  	v3 =	vld [tilespmem:$0x0];
	_ =	sdelay $0x4  }
0x22: {  	v4 =	vshrl.u32 v3, $0x3  }
0x23: {  	v4 =	vmul.u32 $0x30, v4  }
0x24: {  	v3 =	vand.u32 $0x7, v3  }
0x25: {  	v3 =	vor.u32 v3, v4  }
0x26: {  	v4 =	vperm.xlane v3, v0;
	_ =	sdelay $0x1  }
0x27: {  	v4 =	vadd.s32 v1, v4;
	_ =	sdelay $0x3  }
0x28: {  	s2 =	simm.s32 $0x400;
	v3 =	vperm.xlane v3, v2  }
0x29: {  	[tilespmem:s2], [sflag:$0x1] =	stream.indirect_vreg.gather [hbm4b:s1+s3], $0x80, v4, vm0, $0xb8;
	[tilespmem:$0x18400] =	vst v63  }
0x2a: {  	s26 =	simm.s32 $0xC00;
	v3 =	vadd.s32 v1, v3  }
0x2b: {  	[tilespmem:s26], [sflag:$0x1] =	stream.indirect_vreg.gather [hbm4b:s5+s3], $0x80, v4, vm0, $0xb8;
	[tilespmem:$0x18400] =	vst v63  }
0x2c: {  	s28 =	simm.s32 $0x1400  }
0x2d: {  	[tilespmem:s28], [sflag:$0x1] =	stream.indirect_vreg.gather [hbm4b:s6+s3], $0x80, v4, vm0, $0xb8;
	[tilespmem:$0x18400] =	vst v63  }
0x2e: {  	s0 =	simm.s32 $0x1C00  }
0x2f: {  	[tilespmem:s0], [sflag:$0x1] =	stream.indirect_vreg.gather [hbm4b:s1+s3], $0x80, v3, vm0, $0xb8;
	[tilespmem:$0x18400] =	vst v63  }
0x30: {  	s16 =	simm.s32 $0x2400  }
0x31: {  	[tilespmem:s16], [sflag:$0x1] =	stream.indirect_vreg.gather [hbm4b:s5+s3], $0x80, v3, vm0, $0xb8;
	[tilespmem:$0x18400] =	vst v63  }
0x32: {  	s17 =	simm.s32 $0x2C00  }
0x33: {  	[tilespmem:s17], [sflag:$0x1] =	stream.indirect_vreg.gather [hbm4b:s6+s3], $0x80, v3, vm0, $0xb8;
	[tilespmem:$0x18400] =	vst v63  }
0x34: {  	v3 =	vld [tilespmem:$0x10];
	_ =	sdelay $0x4  }
0x35: {  	v51 =	vshrl.u32 v3, $0x3  }
0x36: {  	v4 =	vmul.u32 $0x30, v51  }
0x37: {  	v3 =	vand.u32 $0x7, v3  }
0x38: {  	v3 =	vor.u32 v3, v4  }
0x39: {  	v4 =	vperm.xlane v3, v0;
	_ =	sdelay $0x1  }
0x3a: {  	v4 =	vadd.s32 v1, v4;
	_ =	sdelay $0x3  }
0x3b: {  	s19 =	simm.s32 $0x3400;
	v3 =	vperm.xlane v3, v2  }
0x3c: {  	[tilespmem:s19], [sflag:$0x1] =	stream.indirect_vreg.gather [hbm4b:s1+s3], $0x80, v4, vm0, $0xb8;
	[tilespmem:$0x18400] =	vst v63  }
0x3d: {  	s25 =	simm.s32 $0x3C00;
	v3 =	vadd.s32 v1, v3  }
0x3e: {  	[tilespmem:s25], [sflag:$0x1] =	stream.indirect_vreg.gather [hbm4b:s5+s3], $0x80, v4, vm0, $0xb8;
	[tilespmem:$0x18400] =	vst v63  }
0x3f: {  	s31 =	simm.s32 $0x4400  }
0x40: {  	[tilespmem:s31], [sflag:$0x1] =	stream.indirect_vreg.gather [hbm4b:s6+s3], $0x80, v4, vm0, $0xb8;
	[tilespmem:$0x18400] =	vst v63  }
0x41: {  	s4 =	simm.s32 $0x4C00  }
0x42: {  	[tilespmem:s4], [sflag:$0x1] =	stream.indirect_vreg.gather [hbm4b:s1+s3], $0x80, v3, vm0, $0xb8;
	[tilespmem:$0x18400] =	vst v63  }
0x43: {  	s8 =	simm.s32 $0x5400  }
0x44: {  	[tilespmem:s8], [sflag:$0x1] =	stream.indirect_vreg.gather [hbm4b:s5+s3], $0x80, v3, vm0, $0xb8;
	[tilespmem:$0x18400] =	vst v63  }
0x45: {  	s9 =	simm.s32 $0x5C00  }
0x46: {  	[tilespmem:s9], [sflag:$0x1] =	stream.indirect_vreg.gather [hbm4b:s6+s3], $0x80, v3, vm0, $0xb8;
	[tilespmem:$0x18400] =	vst v63  }
0x47: {  	v3 =	vld [tilespmem:$0x20];
	_ =	sdelay $0x4  }
0x48: {  	v52 =	vshrl.u32 v3, $0x3  }
0x49: {  	v4 =	vmul.u32 $0x30, v52  }
0x4a: {  	v3 =	vand.u32 $0x7, v3  }
0x4b: {  	v3 =	vor.u32 v3, v4  }
0x4c: {  	v4 =	vperm.xlane v3, v0;
	_ =	sdelay $0x1  }
0x4d: {  	v4 =	vadd.s32 v1, v4;
	_ =	sdelay $0x3  }
0x4e: {  	s0 =	simm.s32 $0x6400;
	v3 =	vperm.xlane v3, v2  }
0x4f: {  	[tilespmem:s0], [sflag:$0x2] =	stream.indirect_vreg.gather [hbm4b:s1+s3], $0x80, v4, vm0, $0xb8;
	[tilespmem:$0x18400] =	vst v63  }
0x50: {  	s12 =	simm.s32 $0x6C00;
	v3 =	vadd.s32 v1, v3  }
0x51: {  	[tilespmem:s12], [sflag:$0x2] =	stream.indirect_vreg.gather [hbm4b:s5+s3], $0x80, v4, vm0, $0xb8;
	[tilespmem:$0x18400] =	vst v63  }
0x52: {  	s13 =	simm.s32 $0x7400  }
0x53: {  	[tilespmem:s13], [sflag:$0x2] =	stream.indirect_vreg.gather [hbm4b:s6+s3], $0x80, v4, vm0, $0xb8;
	[tilespmem:$0x18400] =	vst v63  }
0x54: {  	s14 =	simm.s32 $0x7C00  }
0x55: {  	[tilespmem:s14], [sflag:$0x2] =	stream.indirect_vreg.gather [hbm4b:s1+s3], $0x80, v3, vm0, $0xb8;
	[tilespmem:$0x18400] =	vst v63  }
0x56: {  	s29 =	simm.s32 $0x8400  }
0x57: {  	[tilespmem:s29], [sflag:$0x2] =	stream.indirect_vreg.gather [hbm4b:s5+s3], $0x80, v3, vm0, $0xb8;
	[tilespmem:$0x18400] =	vst v63  }
0x58: {  	s4 =	simm.s32 $0x8C00  }
0x59: {  	[tilespmem:s4], [sflag:$0x2] =	stream.indirect_vreg.gather [hbm4b:s6+s3], $0x80, v3, vm0, $0xb8;
	[tilespmem:$0x18400] =	vst v63  }
0x5a: {  	v3 =	vld [tilespmem:$0x30];
	_ =	sdelay $0x4  }
0x5b: {  	v53 =	vshrl.u32 v3, $0x3  }
0x5c: {  	v4 =	vmul.u32 $0x30, v53  }
0x5d: {  	v3 =	vand.u32 $0x7, v3  }
0x5e: {  	v3 =	vor.u32 v3, v4  }
0x5f: {  	v4 =	vperm.xlane v3, v0;
	_ =	sdelay $0x1  }
0x60: {  	v4 =	vadd.s32 v1, v4;
	_ =	sdelay $0x3  }
0x61: {  	s10 =	simm.s32 $0x9400;
	v3 =	vperm.xlane v3, v2  }
0x62: {  	[tilespmem:s10], [sflag:$0x2] =	stream.indirect_vreg.gather [hbm4b:s1+s3], $0x80, v4, vm0, $0xb8;
	[tilespmem:$0x18400] =	vst v63  }
0x63: {  	s11 =	simm.s32 $0x9C00;
	v3 =	vadd.s32 v1, v3  }
0x64: {  	[tilespmem:s11], [sflag:$0x2] =	stream.indirect_vreg.gather [hbm4b:s5+s3], $0x80, v4, vm0, $0xb8;
	[tilespmem:$0x18400] =	vst v63  }
0x65: {  	s16 =	simm.s32 $0xA400  }
0x66: {  	[tilespmem:s16], [sflag:$0x2] =	stream.indirect_vreg.gather [hbm4b:s6+s3], $0x80, v4, vm0, $0xb8;
	[tilespmem:$0x18400] =	vst v63  }
0x67: {  	s17 =	simm.s32 $0xAC00  }
0x68: {  	[tilespmem:s17], [sflag:$0x2] =	stream.indirect_vreg.gather [hbm4b:s1+s3], $0x80, v3, vm0, $0xb8;
	[tilespmem:$0x18400] =	vst v63  }
0x69: {  	s15 =	simm.s32 $0xB400  }
0x6a: {  	[tilespmem:s15], [sflag:$0x2] =	stream.indirect_vreg.gather [hbm4b:s5+s3], $0x80, v3, vm0, $0xb8;
	[tilespmem:$0x18400] =	vst v63  }
0x6b: {  	s19 =	simm.s32 $0xBC00  }
0x6c: {  	[tilespmem:s19], [sflag:$0x2] =	stream.indirect_vreg.gather [hbm4b:s6+s3], $0x80, v3, vm0, $0xb8;
	[tilespmem:$0x18400] =	vst v63  }
0x6d: {  	v3 =	vld [tilespmem:$0x40];
	_ =	sdelay $0x4  }
0x6e: {  	v54 =	vshrl.u32 v3, $0x3  }
0x6f: {  	v4 =	vmul.u32 $0x30, v54  }
0x70: {  	v3 =	vand.u32 $0x7, v3  }
0x71: {  	v3 =	vor.u32 v3, v4  }
0x72: {  	v4 =	vperm.xlane v3, v0;
	_ =	sdelay $0x1  }
0x73: {  	v4 =	vadd.s32 v1, v4;
	_ =	sdelay $0x3  }
0x74: {  	s15 =	simm.s32 $0xC400;
	v3 =	vperm.xlane v3, v2  }
0x75: {  	[tilespmem:s15], [sflag:$0x3] =	stream.indirect_vreg.gather [hbm4b:s1+s3], $0x80, v4, vm0, $0xb8;
	[tilespmem:$0x18400] =	vst v63  }
0x76: {  	s10 =	simm.s32 $0xCC00;
	v3 =	vadd.s32 v1, v3  }
0x77: {  	[tilespmem:s10], [sflag:$0x3] =	stream.indirect_vreg.gather [hbm4b:s5+s3], $0x80, v4, vm0, $0xb8;
	[tilespmem:$0x18400] =	vst v63  }
0x78: {  	s31 =	simm.s32 $0xD400  }
0x79: {  	[tilespmem:s31], [sflag:$0x3] =	stream.indirect_vreg.gather [hbm4b:s6+s3], $0x80, v4, vm0, $0xb8;
	[tilespmem:$0x18400] =	vst v63  }
0x7a: {  	s4 =	simm.s32 $0xDC00  }
0x7b: {  	[tilespmem:s4], [sflag:$0x3] =	stream.indirect_vreg.gather [hbm4b:s1+s3], $0x80, v3, vm0, $0xb8;
	[tilespmem:$0x18400] =	vst v63  }
0x7c: {  	s8 =	simm.s32 $0xE400  }
0x7d: {  	[tilespmem:s8], [sflag:$0x3] =	stream.indirect_vreg.gather [hbm4b:s5+s3], $0x80, v3, vm0, $0xb8;
	[tilespmem:$0x18400] =	vst v63  }
0x7e: {  	s9 =	simm.s32 $0xEC00  }
0x7f: {  	[tilespmem:s9], [sflag:$0x3] =	stream.indirect_vreg.gather [hbm4b:s6+s3], $0x80, v3, vm0, $0xb8;
	[tilespmem:$0x18400] =	vst v63  }
0x80: {  	v3 =	vld [tilespmem:$0x50];
	_ =	sdelay $0x4  }
0x81: {  	v55 =	vshrl.u32 v3, $0x3  }
0x82: {  	v4 =	vmul.u32 $0x30, v55  }
0x83: {  	v3 =	vand.u32 $0x7, v3  }
0x84: {  	v3 =	vor.u32 v3, v4  }
0x85: {  	v4 =	vperm.xlane v3, v0;
	_ =	sdelay $0x1  }
0x86: {  	v4 =	vadd.s32 v1, v4;
	_ =	sdelay $0x3  }
0x87: {  	s19 =	simm.s32 $0xF400;
	v3 =	vperm.xlane v3, v2  }
0x88: {  	[tilespmem:s19], [sflag:$0x3] =	stream.indirect_vreg.gather [hbm4b:s1+s3], $0x80, v4, vm0, $0xb8;
	[tilespmem:$0x18400] =	vst v63  }
0x89: {  	s11 =	simm.s32 $0xFC00;
	v3 =	vadd.s32 v1, v3  }
0x8a: {  	[tilespmem:s11], [sflag:$0x3] =	stream.indirect_vreg.gather [hbm4b:s5+s3], $0x80, v4, vm0, $0xb8;
	[tilespmem:$0x18400] =	vst v63  }
0x8b: {  	s25 =	simm.s32 $0x10400  }
0x8c: {  	[tilespmem:s25], [sflag:$0x3] =	stream.indirect_vreg.gather [hbm4b:s6+s3], $0x80, v4, vm0, $0xb8;
	[tilespmem:$0x18400] =	vst v63  }
0x8d: {  	s25 =	simm.s32 $0x10C00  }
0x8e: {  	[tilespmem:s25], [sflag:$0x3] =	stream.indirect_vreg.gather [hbm4b:s1+s3], $0x80, v3, vm0, $0xb8;
	[tilespmem:$0x18400] =	vst v63  }
0x8f: {  	s25 =	simm.s32 $0x11400  }
0x90: {  	[tilespmem:s25], [sflag:$0x3] =	stream.indirect_vreg.gather [hbm4b:s5+s3], $0x80, v3, vm0, $0xb8;
	[tilespmem:$0x18400] =	vst v63  }
0x91: {  	s25 =	simm.s32 $0x11C00  }
0x92: {  	[tilespmem:s25], [sflag:$0x3] =	stream.indirect_vreg.gather [hbm4b:s6+s3], $0x80, v3, vm0, $0xb8;
	[tilespmem:$0x18400] =	vst v63  }
0x93: {  	_ =	swait.ge [sflag:s30], $0x6000  }
0x94: {  	[sflag:s30] =	ssyncset.done $0x0  }
0x95: {  	s11 =	rddreg [dreg:$0x9];
	[sflag:s30] =	ssyncadd.s32 $0xFFFFA000  }
0x96: {  	[hbm4b:s11+s3] =	stream.linear.scatter [tilespmem:s2], [sflag:$0x5], $0x6000, $0x38;
	[tilespmem:$0x18400] =	vst v63  }
0x97: {  	v3 =	vld [tilespmem:$0x60];
	_ =	sdelay $0x4  }
0x98: {  	v56 =	vshrl.u32 v3, $0x3  }
0x99: {  	v4 =	vmul.u32 $0x30, v56  }
0x9a: {  	v3 =	vand.u32 $0x7, v3  }
0x9b: {  	v3 =	vor.u32 v3, v4  }
0x9c: {  	v4 =	vperm.xlane v3, v0;
	_ =	sdelay $0x1  }
0x9d: {  	v4 =	vadd.s32 v1, v4;
	_ =	sdelay $0x3  }
0x9e: {  	s11 =	simm.s32 $0x12400;
	v3 =	vperm.xlane v3, v2  }
0x9f: {  	[tilespmem:s11], [sflag:$0x4] =	stream.indirect_vreg.gather [hbm4b:s1+s3], $0x80, v4, vm0, $0xb8;
	[tilespmem:$0x18400] =	vst v63  }
0xa0: {  	s25 =	simm.s32 $0x12C00;
	v3 =	vadd.s32 v1, v3  }
0xa1: {  	[tilespmem:s25], [sflag:$0x4] =	stream.indirect_vreg.gather [hbm4b:s5+s3], $0x80, v4, vm0, $0xb8;
	[tilespmem:$0x18400] =	vst v63  }
0xa2: {  	s25 =	simm.s32 $0x13400  }
0xa3: {  	[tilespmem:s25], [sflag:$0x4] =	stream.indirect_vreg.gather [hbm4b:s6+s3], $0x80, v4, vm0, $0xb8;
	[tilespmem:$0x18400] =	vst v63  }
0xa4: {  	s25 =	simm.s32 $0x13C00  }
0xa5: {  	[tilespmem:s25], [sflag:$0x4] =	stream.indirect_vreg.gather [hbm4b:s1+s3], $0x80, v3, vm0, $0xb8;
	[tilespmem:$0x18400] =	vst v63  }
0xa6: {  	s25 =	simm.s32 $0x14400  }
0xa7: {  	[tilespmem:s25], [sflag:$0x4] =	stream.indirect_vreg.gather [hbm4b:s5+s3], $0x80, v3, vm0, $0xb8;
	[tilespmem:$0x18400] =	vst v63  }
0xa8: {  	s25 =	simm.s32 $0x14C00  }
0xa9: {  	[tilespmem:s25], [sflag:$0x4] =	stream.indirect_vreg.gather [hbm4b:s6+s3], $0x80, v3, vm0, $0xb8;
	[tilespmem:$0x18400] =	vst v63  }
0xaa: {  	v3 =	vld [tilespmem:$0x70];
	_ =	sdelay $0x4  }
0xab: {  	v57 =	vshrl.u32 v3, $0x3  }
0xac: {  	v4 =	vmul.u32 $0x30, v57  }
0xad: {  	v3 =	vand.u32 $0x7, v3  }
0xae: {  	v3 =	vor.u32 v3, v4  }
0xaf: {  	v4 =	vperm.xlane v3, v0;
	_ =	sdelay $0x1  }
0xb0: {  	v4 =	vadd.s32 v1, v4;
	_ =	sdelay $0x3  }
0xb1: {  	s25 =	simm.s32 $0x15400;
	v3 =	vperm.xlane v3, v2  }
0xb2: {  	[tilespmem:s25], [sflag:$0x4] =	stream.indirect_vreg.gather [hbm4b:s1+s3], $0x80, v4, vm0, $0xb8;
	[tilespmem:$0x18400] =	vst v63  }
0xb3: {  	v3 =	vadd.s32 v1, v3;
	s25 =	simm.s32 $0x15C00  }
0xb4: {  	[tilespmem:s25], [sflag:$0x4] =	stream.indirect_vreg.gather [hbm4b:s5+s3], $0x80, v4, vm0, $0xb8;
	[tilespmem:$0x18400] =	vst v63  }
0xb5: {  	s25 =	simm.s32 $0x16400  }
0xb6: {  	[tilespmem:s25], [sflag:$0x4] =	stream.indirect_vreg.gather [hbm4b:s6+s3], $0x80, v4, vm0, $0xb8;
	[tilespmem:$0x18400] =	vst v63  }
0xb7: {  	s25 =	simm.s32 $0x16C00  }
0xb8: {  	[tilespmem:s25], [sflag:$0x4] =	stream.indirect_vreg.gather [hbm4b:s1+s3], $0x80, v3, vm0, $0xb8;
	[tilespmem:$0x18400] =	vst v63  }
0xb9: {  	s25 =	simm.s32 $0x17400  }
0xba: {  	[tilespmem:s25], [sflag:$0x4] =	stream.indirect_vreg.gather [hbm4b:s5+s3], $0x80, v3, vm0, $0xb8;
	[tilespmem:$0x18400] =	vst v63  }
0xbb: {  	s25 =	simm.s32 $0x17C00  }
0xbc: {  	[tilespmem:s25], [sflag:$0x4] =	stream.indirect_vreg.gather [hbm4b:s6+s3], $0x80, v3, vm0, $0xb8;
	[tilespmem:$0x18400] =	vst v63  }
0xbd: {  	_ =	swait.ge [sflag:s7], $0x6000  }
0xbe: {  	[sflag:s7] =	ssyncset.done $0x0  }
0xbf: {  	s25 =	rddreg [dreg:$0xa];
	[sflag:s7] =	ssyncadd.s32 $0xFFFFA000  }
0xc0: {  	[hbm4b:s25+s3] =	stream.linear.scatter [tilespmem:s0], [sflag:$0x6], $0x6000, $0x38;
	[tilespmem:$0x18400] =	vst v63  }
0xc1: {  	_ =	swait.ge [sflag:s18], $0x6000  }
0xc2: {  	[sflag:s18] =	ssyncset.done $0x0  }
0xc3: {  	[sflag:s18] =	ssyncadd.s32 $0xFFFFA000  }
0xc4: {  	v3 =	vld [tilespmem:$0x80];
	_ =	sdelay $0x4  }
0xc5: {  	v58 =	vshrl.u32 v3, $0x3  }
0xc6: {  	v4 =	vmul.u32 $0x30, v58  }
0xc7: {  	v3 =	vand.u32 $0x7, v3  }
0xc8: {  	v3 =	vor.u32 v3, v4  }
0xc9: {  	v4 =	vperm.xlane v3, v0;
	_ =	sdelay $0x1  }
0xca: {  	v4 =	vadd.s32 v1, v4;
	_ =	sdelay $0x3  }
0xcb: {  	v3 =	vperm.xlane v3, v2  }
0xcc: {  	[tilespmem:s2], [sflag:$0x1] =	stream.indirect_vreg.gather [hbm4b:s1+s3], $0x80, v4, vm0, $0xb8;
	[tilespmem:$0x18400] =	vst v63  }
0xcd: {  	v3 =	vadd.s32 v1, v3  }
0xce: {  	[tilespmem:s26], [sflag:$0x1] =	stream.indirect_vreg.gather [hbm4b:s5+s3], $0x80, v4, vm0, $0xb8;
	[tilespmem:$0x18400] =	vst v63  }
0xcf: {  	_ = 	snop  }
0xd0: {  	[tilespmem:s28], [sflag:$0x1] =	stream.indirect_vreg.gather [hbm4b:s6+s3], $0x80, v4, vm0, $0xb8;
	[tilespmem:$0x18400] =	vst v63  }
0xd1: {  	s26 =	simm.s32 $0x1C00  }
0xd2: {  	[tilespmem:s26], [sflag:$0x1] =	stream.indirect_vreg.gather [hbm4b:s1+s3], $0x80, v3, vm0, $0xb8;
	[tilespmem:$0x18400] =	vst v63  }
0xd3: {  	s28 =	simm.s32 $0x2400  }
0xd4: {  	[tilespmem:s28], [sflag:$0x1] =	stream.indirect_vreg.gather [hbm4b:s5+s3], $0x80, v3, vm0, $0xb8;
	[tilespmem:$0x18400] =	vst v63  }
0xd5: {  	s25 =	simm.s32 $0x2C00  }
0xd6: {  	[tilespmem:s25], [sflag:$0x1] =	stream.indirect_vreg.gather [hbm4b:s6+s3], $0x80, v3, vm0, $0xb8;
	[tilespmem:$0x18400] =	vst v63  }
0xd7: {  	v3 =	vld [tilespmem:$0x90];
	_ =	sdelay $0x4  }
0xd8: {  	v59 =	vshrl.u32 v3, $0x3  }
0xd9: {  	v4 =	vmul.u32 $0x30, v59  }
0xda: {  	v3 =	vand.u32 $0x7, v3  }
0xdb: {  	v3 =	vor.u32 v3, v4  }
0xdc: {  	v4 =	vperm.xlane v3, v0;
	_ =	sdelay $0x1  }
0xdd: {  	v4 =	vadd.s32 v1, v4;
	_ =	sdelay $0x3  }
0xde: {  	s26 =	simm.s32 $0x3400;
	v3 =	vperm.xlane v3, v2  }
0xdf: {  	[tilespmem:s26], [sflag:$0x1] =	stream.indirect_vreg.gather [hbm4b:s1+s3], $0x80, v4, vm0, $0xb8;
	[tilespmem:$0x18400] =	vst v63  }
0xe0: {  	s28 =	simm.s32 $0x3C00;
	v3 =	vadd.s32 v1, v3  }
0xe1: {  	[tilespmem:s28], [sflag:$0x1] =	stream.indirect_vreg.gather [hbm4b:s5+s3], $0x80, v4, vm0, $0xb8;
	[tilespmem:$0x18400] =	vst v63  }
0xe2: {  	s25 =	simm.s32 $0x4400  }
0xe3: {  	[tilespmem:s25], [sflag:$0x1] =	stream.indirect_vreg.gather [hbm4b:s6+s3], $0x80, v4, vm0, $0xb8;
	[tilespmem:$0x18400] =	vst v63  }
0xe4: {  	s26 =	simm.s32 $0x4C00  }
0xe5: {  	[tilespmem:s26], [sflag:$0x1] =	stream.indirect_vreg.gather [hbm4b:s1+s3], $0x80, v3, vm0, $0xb8;
	[tilespmem:$0x18400] =	vst v63  }
0xe6: {  	s28 =	simm.s32 $0x5400  }
0xe7: {  	[tilespmem:s28], [sflag:$0x1] =	stream.indirect_vreg.gather [hbm4b:s5+s3], $0x80, v3, vm0, $0xb8;
	[tilespmem:$0x18400] =	vst v63  }
0xe8: {  	s25 =	simm.s32 $0x5C00  }
0xe9: {  	[tilespmem:s25], [sflag:$0x1] =	stream.indirect_vreg.gather [hbm4b:s6+s3], $0x80, v3, vm0, $0xb8;
	[tilespmem:$0x18400] =	vst v63  }
0xea: {  	_ =	swait.ge [sflag:s20], $0x6000  }
0xeb: {  	[sflag:s20] =	ssyncset.done $0x0  }
0xec: {  	s26 =	rddreg [dreg:$0xb];
	[sflag:s20] =	ssyncadd.s32 $0xFFFFA000  }
0xed: {  	[hbm4b:s26+s3] =	stream.linear.scatter [tilespmem:s15], [sflag:$0x7], $0x6000, $0x38;
	[tilespmem:$0x18400] =	vst v63  }
0xee: {  	_ =	swait.ge [sflag:s21], $0x6000  }
0xef: {  	[sflag:s21] =	ssyncset.done $0x0  }
0xf0: {  	[sflag:s21] =	ssyncadd.s32 $0xFFFFA000  }
0xf1: {  	v3 =	vld [tilespmem:$0xA0];
	_ =	sdelay $0x4  }
0xf2: {  	v60 =	vshrl.u32 v3, $0x3  }
0xf3: {  	v4 =	vmul.u32 $0x30, v60  }
0xf4: {  	v3 =	vand.u32 $0x7, v3  }
0xf5: {  	v3 =	vor.u32 v3, v4  }
0xf6: {  	v4 =	vperm.xlane v3, v0;
	_ =	sdelay $0x1  }
0xf7: {  	v4 =	vadd.s32 v1, v4;
	_ =	sdelay $0x3  }
0xf8: {  	v3 =	vperm.xlane v3, v2  }
0xf9: {  	[tilespmem:s0], [sflag:$0x2] =	stream.indirect_vreg.gather [hbm4b:s1+s3], $0x80, v4, vm0, $0xb8;
	[tilespmem:$0x18400] =	vst v63  }
0xfa: {  	v3 =	vadd.s32 v1, v3  }
0xfb: {  	[tilespmem:s12], [sflag:$0x2] =	stream.indirect_vreg.gather [hbm4b:s5+s3], $0x80, v4, vm0, $0xb8;
	[tilespmem:$0x18400] =	vst v63  }
0xfc: {  	_ = 	snop  }
0xfd: {  	[tilespmem:s13], [sflag:$0x2] =	stream.indirect_vreg.gather [hbm4b:s6+s3], $0x80, v4, vm0, $0xb8;
	[tilespmem:$0x18400] =	vst v63  }
0xfe: {  	_ = 	snop  }
0xff: {  	[tilespmem:s14], [sflag:$0x2] =	stream.indirect_vreg.gather [hbm4b:s1+s3], $0x80, v3, vm0, $0xb8;
	[tilespmem:$0x18400] =	vst v63  }
0x100: {  	_ = 	snop  }
0x101: {  	[tilespmem:s29], [sflag:$0x2] =	stream.indirect_vreg.gather [hbm4b:s5+s3], $0x80, v3, vm0, $0xb8;
	[tilespmem:$0x18400] =	vst v63  }
0x102: {  	s28 =	simm.s32 $0x8C00  }
0x103: {  	[tilespmem:s28], [sflag:$0x2] =	stream.indirect_vreg.gather [hbm4b:s6+s3], $0x80, v3, vm0, $0xb8;
	[tilespmem:$0x18400] =	vst v63  }
0x104: {  	v3 =	vld [tilespmem:$0xB0];
	_ =	sdelay $0x4  }
0x105: {  	v61 =	vshrl.u32 v3, $0x3  }
0x106: {  	v4 =	vmul.u32 $0x30, v61  }
0x107: {  	v3 =	vand.u32 $0x7, v3  }
0x108: {  	v3 =	vor.u32 v3, v4  }
0x109: {  	v4 =	vperm.xlane v3, v0;
	_ =	sdelay $0x1  }
0x10a: {  	v4 =	vadd.s32 v1, v4;
	_ =	sdelay $0x3  }
0x10b: {  	s2 =	simm.s32 $0x9400;
	v3 =	vperm.xlane v3, v2  }
0x10c: {  	[tilespmem:s2], [sflag:$0x2] =	stream.indirect_vreg.gather [hbm4b:s1+s3], $0x80, v4, vm0, $0xb8;
	[tilespmem:$0x18400] =	vst v63  }
0x10d: {  	s12 =	simm.s32 $0x9C00;
	v3 =	vadd.s32 v1, v3  }
0x10e: {  	[tilespmem:s12], [sflag:$0x2] =	stream.indirect_vreg.gather [hbm4b:s5+s3], $0x80, v4, vm0, $0xb8;
	[tilespmem:$0x18400] =	vst v63  }
0x10f: {  	_ = 	snop  }
0x110: {  	[tilespmem:s16], [sflag:$0x2] =	stream.indirect_vreg.gather [hbm4b:s6+s3], $0x80, v4, vm0, $0xb8;
	[tilespmem:$0x18400] =	vst v63  }
0x111: {  	_ = 	snop  }
0x112: {  	[tilespmem:s17], [sflag:$0x2] =	stream.indirect_vreg.gather [hbm4b:s1+s3], $0x80, v3, vm0, $0xb8;
	[tilespmem:$0x18400] =	vst v63  }
0x113: {  	s13 =	simm.s32 $0xB400  }
0x114: {  	[tilespmem:s13], [sflag:$0x2] =	stream.indirect_vreg.gather [hbm4b:s5+s3], $0x80, v3, vm0, $0xb8;
	[tilespmem:$0x18400] =	vst v63  }
0x115: {  	s14 =	simm.s32 $0xBC00  }
0x116: {  	[tilespmem:s14], [sflag:$0x2] =	stream.indirect_vreg.gather [hbm4b:s6+s3], $0x80, v3, vm0, $0xb8;
	[tilespmem:$0x18400] =	vst v63  }
0x117: {  	_ =	swait.ge [sflag:s22], $0x6000  }
0x118: {  	[sflag:s22] =	ssyncset.done $0x0  }
0x119: {  	s16 =	rddreg [dreg:$0xc];
	[sflag:s22] =	ssyncadd.s32 $0xFFFFA000  }
0x11a: {  	[hbm4b:s16+s3] =	stream.linear.scatter [tilespmem:s11], [sflag:$0x8], $0x6000, $0x38;
	[tilespmem:$0x18400] =	vst v63  }
0x11b: {  	_ =	swait.ge [sflag:s23], $0x6000  }
0x11c: {  	[sflag:s23] =	ssyncset.done $0x0  }
0x11d: {  	[sflag:s23] =	ssyncadd.s32 $0xFFFFA000  }
0x11e: {  	v3 =	vld [tilespmem:$0xC0];
	_ =	sdelay $0x4  }
0x11f: {  	v62 =	vshrl.u32 v3, $0x3  }
0x120: {  	v4 =	vmul.u32 $0x30, v62  }
0x121: {  	v3 =	vand.u32 $0x7, v3  }
0x122: {  	v3 =	vor.u32 v3, v4  }
0x123: {  	v4 =	vperm.xlane v3, v0;
	_ =	sdelay $0x1  }
0x124: {  	v4 =	vadd.s32 v1, v4;
	_ =	sdelay $0x3  }
0x125: {  	v3 =	vperm.xlane v3, v2  }
0x126: {  	[tilespmem:s15], [sflag:$0x3] =	stream.indirect_vreg.gather [hbm4b:s1+s3], $0x80, v4, vm0, $0xb8;
	[tilespmem:$0x18400] =	vst v63  }
0x127: {  	v3 =	vadd.s32 v1, v3  }
0x128: {  	[tilespmem:s10], [sflag:$0x3] =	stream.indirect_vreg.gather [hbm4b:s5+s3], $0x80, v4, vm0, $0xb8;
	[tilespmem:$0x18400] =	vst v63  }
0x129: {  	_ = 	snop  }
0x12a: {  	[tilespmem:s31], [sflag:$0x3] =	stream.indirect_vreg.gather [hbm4b:s6+s3], $0x80, v4, vm0, $0xb8;
	[tilespmem:$0x18400] =	vst v63  }
0x12b: {  	_ = 	snop  }
0x12c: {  	[tilespmem:s4], [sflag:$0x3] =	stream.indirect_vreg.gather [hbm4b:s1+s3], $0x80, v3, vm0, $0xb8;
	[tilespmem:$0x18400] =	vst v63  }
0x12d: {  	_ = 	snop  }
0x12e: {  	[tilespmem:s8], [sflag:$0x3] =	stream.indirect_vreg.gather [hbm4b:s5+s3], $0x80, v3, vm0, $0xb8;
	[tilespmem:$0x18400] =	vst v63  }
0x12f: {  	_ = 	snop  }
0x130: {  	[tilespmem:s9], [sflag:$0x3] =	stream.indirect_vreg.gather [hbm4b:s6+s3], $0x80, v3, vm0, $0xb8;
	[tilespmem:$0x18400] =	vst v63  }
0x131: {  	v3 =	vld [tilespmem:$0xD0];
	_ =	sdelay $0x4  }
0x132: {  	v63 =	vshrl.u32 v3, $0x3  }
0x133: {  	v4 =	vmul.u32 $0x30, v63  }
0x134: {  	v3 =	vand.u32 $0x7, v3  }
0x135: {  	v3 =	vor.u32 v3, v4  }
0x136: {  	v4 =	vperm.xlane v3, v0;
	_ =	sdelay $0x1  }
0x137: {  	v4 =	vadd.s32 v1, v4;
	_ =	sdelay $0x3  }
0x138: {  	s25 =	simm.s32 $0x10400;
	s26 =	simm.s32 $0x10C00;
	s0 =	simm.s32 $0x11C00;
	v3 =	vperm.xlane v3, v2  }
0x139: {  	[tilespmem:s19], [sflag:$0x3] =	stream.indirect_vreg.gather [hbm4b:s1+s3], $0x80, v4, vm0, $0xb8;
	[tilespmem:$0x18400] =	vst v63  }
0x13a: {  	s29 =	simm.s32 $0xEC00;
	s28 =	simm.s32 $0x11400;
	s17 =	simm.s32 $0xFC00;
	v3 =	vadd.s32 v1, v3  }
0x13b: {  	[tilespmem:s17], [sflag:$0x3] =	stream.indirect_vreg.gather [hbm4b:s5+s3], $0x80, v4, vm0, $0xb8;
	[tilespmem:$0x18400] =	vst v63  }
0x13c: {  	s2 =	simm.s32 $0xF400;
	s12 =	simm.s32 $0xD400;
	s13 =	simm.s32 $0xDC00  }
0x13d: {  	[tilespmem:s25], [sflag:$0x3] =	stream.indirect_vreg.gather [hbm4b:s6+s3], $0x80, v4, vm0, $0xb8;
	[tilespmem:$0x18400] =	vst v63  }
0x13e: {  	s14 =	simm.s32 $0xE400;
	s15 =	simm.s32 $0xCC00;
	s31 =	simm.s32 $0x11C00  }
0x13f: {  	[tilespmem:s26], [sflag:$0x3] =	stream.indirect_vreg.gather [hbm4b:s1+s3], $0x80, v3, vm0, $0xb8;
	[tilespmem:$0x18400] =	vst v63  }
0x140: {  	s4 =	simm.s32 $0x10400;
	s8 =	simm.s32 $0x10C00;
	s9 =	simm.s32 $0x11400  }
0x141: {  	[tilespmem:s28], [sflag:$0x3] =	stream.indirect_vreg.gather [hbm4b:s5+s3], $0x80, v3, vm0, $0xb8;
	[tilespmem:$0x18400] =	vst v63  }
0x142: {  	s19 =	simm.s32 $0xFC00;
	s25 =	simm.s32 $0x150;
	s26 =	simm.s32 $0x0  }
0x143: {  	[tilespmem:s31], [sflag:$0x3] =	stream.indirect_vreg.gather [hbm4b:s6+s3], $0x80, v3, vm0, $0xb8;
	[tilespmem:$0x18400] =	vst v63  }
.LBB2_2:
0x144: {  	_ =	swait.ge [sflag:s30], $0x6000  }
0x145: {  	s28 =	rddreg [dreg:$0x5];
	[sflag:s30] =	ssyncset.done $0x0  }
0x146: {  	s17 =	simm.s32 $0x400;
	[sflag:s30] =	ssyncadd.s32 $0xFFFFA000;
	s28 =	sadd.s32 s26, s28  }
0x147: {  	[hbm4b:s28+s3] =	stream.linear.scatter [tilespmem:s17], [sflag:$0x5], $0x6000, $0x38;
	[tilespmem:$0x18400] =	vst v63  }
0x148: {  	_ =	swait.ge [sflag:s24], $0x6000  }
0x149: {  	[sflag:s24] =	ssyncset.done $0x0  }
0x14a: {  	[sflag:s24] =	ssyncadd.s32 $0xFFFFA000  }
0x14b: {  	v3 =	vld [tilespmem:s25+$0xFFFFFF90];
	_ =	sdelay $0x4  }
0x14c: {  	v4 =	vshrl.u32 v3, $0x3  }
0x14d: {  	v4 =	vmul.u32 $0x30, v4  }
0x14e: {  	v3 =	vand.u32 $0x7, v3  }
0x14f: {  	v3 =	vor.u32 v3, v4  }
0x150: {  	v4 =	vperm.xlane v3, v0;
	_ =	sdelay $0x1  }
0x151: {  	v4 =	vadd.s32 v1, v4;
	_ =	sdelay $0x3  }
0x152: {  	s11 =	simm.s32 $0x12400;
	v3 =	vperm.xlane v3, v2  }
0x153: {  	[tilespmem:s11], [sflag:$0x4] =	stream.indirect_vreg.gather [hbm4b:s1+s3], $0x80, v4, vm0, $0xb8;
	[tilespmem:$0x18400] =	vst v63  }
0x154: {  	s31 =	simm.s32 $0x12C00;
	v3 =	vadd.s32 v1, v3  }
0x155: {  	[tilespmem:s31], [sflag:$0x4] =	stream.indirect_vreg.gather [hbm4b:s5+s3], $0x80, v4, vm0, $0xb8;
	[tilespmem:$0x18400] =	vst v63  }
0x156: {  	s10 =	simm.s32 $0x13400  }
0x157: {  	[tilespmem:s10], [sflag:$0x4] =	stream.indirect_vreg.gather [hbm4b:s6+s3], $0x80, v4, vm0, $0xb8;
	[tilespmem:$0x18400] =	vst v63  }
0x158: {  	s16 =	simm.s32 $0x13C00  }
0x159: {  	[tilespmem:s16], [sflag:$0x4] =	stream.indirect_vreg.gather [hbm4b:s1+s3], $0x80, v3, vm0, $0xb8;
	[tilespmem:$0x18400] =	vst v63  }
0x15a: {  	s31 =	simm.s32 $0x14400  }
0x15b: {  	[tilespmem:s31], [sflag:$0x4] =	stream.indirect_vreg.gather [hbm4b:s5+s3], $0x80, v3, vm0, $0xb8;
	[tilespmem:$0x18400] =	vst v63  }
0x15c: {  	s10 =	simm.s32 $0x14C00  }
0x15d: {  	[tilespmem:s10], [sflag:$0x4] =	stream.indirect_vreg.gather [hbm4b:s6+s3], $0x80, v3, vm0, $0xb8;
	[tilespmem:$0x18400] =	vst v63  }
0x15e: {  	v3 =	vld [tilespmem:s25+$0xFFFFFFA0];
	_ =	sdelay $0x4  }
0x15f: {  	v57 =	vshrl.u32 v3, $0x3  }
0x160: {  	v4 =	vmul.u32 $0x30, v57  }
0x161: {  	v3 =	vand.u32 $0x7, v3  }
0x162: {  	v3 =	vor.u32 v3, v4  }
0x163: {  	v4 =	vperm.xlane v3, v0;
	_ =	sdelay $0x1  }
0x164: {  	v4 =	vadd.s32 v1, v4;
	_ =	sdelay $0x3  }
0x165: {  	s16 =	simm.s32 $0x15400;
	v3 =	vperm.xlane v3, v2  }
0x166: {  	[tilespmem:s16], [sflag:$0x4] =	stream.indirect_vreg.gather [hbm4b:s1+s3], $0x80, v4, vm0, $0xb8;
	[tilespmem:$0x18400] =	vst v63  }
0x167: {  	s31 =	simm.s32 $0x15C00;
	v3 =	vadd.s32 v1, v3  }
0x168: {  	[tilespmem:s31], [sflag:$0x4] =	stream.indirect_vreg.gather [hbm4b:s5+s3], $0x80, v4, vm0, $0xb8;
	[tilespmem:$0x18400] =	vst v63  }
0x169: {  	s10 =	simm.s32 $0x16400  }
0x16a: {  	[tilespmem:s10], [sflag:$0x4] =	stream.indirect_vreg.gather [hbm4b:s6+s3], $0x80, v4, vm0, $0xb8;
	[tilespmem:$0x18400] =	vst v63  }
0x16b: {  	s16 =	simm.s32 $0x16C00  }
0x16c: {  	[tilespmem:s16], [sflag:$0x4] =	stream.indirect_vreg.gather [hbm4b:s1+s3], $0x80, v3, vm0, $0xb8;
	[tilespmem:$0x18400] =	vst v63  }
0x16d: {  	s31 =	simm.s32 $0x17400  }
0x16e: {  	[tilespmem:s31], [sflag:$0x4] =	stream.indirect_vreg.gather [hbm4b:s5+s3], $0x80, v3, vm0, $0xb8;
	[tilespmem:$0x18400] =	vst v63  }
0x16f: {  	s10 =	simm.s32 $0x17C00  }
0x170: {  	[tilespmem:s10], [sflag:$0x4] =	stream.indirect_vreg.gather [hbm4b:s6+s3], $0x80, v3, vm0, $0xb8;
	[tilespmem:$0x18400] =	vst v63  }
0x171: {  	_ =	swait.ge [sflag:s7], $0x6000  }
0x172: {  	s16 =	rddreg [dreg:$0x6];
	[sflag:s7] =	ssyncset.done $0x0  }
0x173: {  	s10 =	simm.s32 $0x6400;
	[sflag:s7] =	ssyncadd.s32 $0xFFFFA000;
	s28 =	sadd.s32 s26, s16  }
0x174: {  	[hbm4b:s28+s3] =	stream.linear.scatter [tilespmem:s10], [sflag:$0x6], $0x6000, $0x38;
	[tilespmem:$0x18400] =	vst v63  }
0x175: {  	_ =	swait.ge [sflag:s18], $0x6000  }
0x176: {  	[sflag:s18] =	ssyncset.done $0x0  }
0x177: {  	[sflag:s18] =	ssyncadd.s32 $0xFFFFA000  }
0x178: {  	v3 =	vld [tilespmem:s25+$0xFFFFFFB0];
	_ =	sdelay $0x4  }
0x179: {  	v58 =	vshrl.u32 v3, $0x3  }
0x17a: {  	v4 =	vmul.u32 $0x30, v58  }
0x17b: {  	v3 =	vand.u32 $0x7, v3  }
0x17c: {  	v3 =	vor.u32 v3, v4  }
0x17d: {  	v4 =	vperm.xlane v3, v0;
	_ =	sdelay $0x1  }
0x17e: {  	v4 =	vadd.s32 v1, v4;
	_ =	sdelay $0x3  }
0x17f: {  	v3 =	vperm.xlane v3, v2  }
0x180: {  	[tilespmem:s17], [sflag:$0x1] =	stream.indirect_vreg.gather [hbm4b:s1+s3], $0x80, v4, vm0, $0xb8;
	[tilespmem:$0x18400] =	vst v63  }
0x181: {  	s31 =	simm.s32 $0xC00;
	v3 =	vadd.s32 v1, v3  }
0x182: {  	[tilespmem:s31], [sflag:$0x1] =	stream.indirect_vreg.gather [hbm4b:s5+s3], $0x80, v4, vm0, $0xb8;
	[tilespmem:$0x18400] =	vst v63  }
0x183: {  	s17 =	simm.s32 $0x1400  }
0x184: {  	[tilespmem:s17], [sflag:$0x1] =	stream.indirect_vreg.gather [hbm4b:s6+s3], $0x80, v4, vm0, $0xb8;
	[tilespmem:$0x18400] =	vst v63  }
0x185: {  	s31 =	simm.s32 $0x1C00  }
0x186: {  	[tilespmem:s31], [sflag:$0x1] =	stream.indirect_vreg.gather [hbm4b:s1+s3], $0x80, v3, vm0, $0xb8;
	[tilespmem:$0x18400] =	vst v63  }
0x187: {  	s17 =	simm.s32 $0x2400  }
0x188: {  	[tilespmem:s17], [sflag:$0x1] =	stream.indirect_vreg.gather [hbm4b:s5+s3], $0x80, v3, vm0, $0xb8;
	[tilespmem:$0x18400] =	vst v63  }
0x189: {  	s31 =	simm.s32 $0x2C00  }
0x18a: {  	[tilespmem:s31], [sflag:$0x1] =	stream.indirect_vreg.gather [hbm4b:s6+s3], $0x80, v3, vm0, $0xb8;
	[tilespmem:$0x18400] =	vst v63  }
0x18b: {  	v3 =	vld [tilespmem:s25+$0xFFFFFFC0];
	_ =	sdelay $0x4  }
0x18c: {  	v59 =	vshrl.u32 v3, $0x3  }
0x18d: {  	v4 =	vmul.u32 $0x30, v59  }
0x18e: {  	v3 =	vand.u32 $0x7, v3  }
0x18f: {  	v3 =	vor.u32 v3, v4  }
0x190: {  	v4 =	vperm.xlane v3, v0;
	_ =	sdelay $0x1  }
0x191: {  	v4 =	vadd.s32 v1, v4;
	_ =	sdelay $0x3  }
0x192: {  	s17 =	simm.s32 $0x3400;
	v3 =	vperm.xlane v3, v2  }
0x193: {  	[tilespmem:s17], [sflag:$0x1] =	stream.indirect_vreg.gather [hbm4b:s1+s3], $0x80, v4, vm0, $0xb8;
	[tilespmem:$0x18400] =	vst v63  }
0x194: {  	s31 =	simm.s32 $0x3C00;
	v3 =	vadd.s32 v1, v3  }
0x195: {  	[tilespmem:s31], [sflag:$0x1] =	stream.indirect_vreg.gather [hbm4b:s5+s3], $0x80, v4, vm0, $0xb8;
	[tilespmem:$0x18400] =	vst v63  }
0x196: {  	s28 =	simm.s32 $0x4400  }
0x197: {  	[tilespmem:s28], [sflag:$0x1] =	stream.indirect_vreg.gather [hbm4b:s6+s3], $0x80, v4, vm0, $0xb8;
	[tilespmem:$0x18400] =	vst v63  }
0x198: {  	s31 =	simm.s32 $0x4C00  }
0x199: {  	[tilespmem:s31], [sflag:$0x1] =	stream.indirect_vreg.gather [hbm4b:s1+s3], $0x80, v3, vm0, $0xb8;
	[tilespmem:$0x18400] =	vst v63  }
0x19a: {  	s28 =	simm.s32 $0x5400  }
0x19b: {  	[tilespmem:s28], [sflag:$0x1] =	stream.indirect_vreg.gather [hbm4b:s5+s3], $0x80, v3, vm0, $0xb8;
	[tilespmem:$0x18400] =	vst v63  }
0x19c: {  	s31 =	simm.s32 $0x5C00  }
0x19d: {  	[tilespmem:s31], [sflag:$0x1] =	stream.indirect_vreg.gather [hbm4b:s6+s3], $0x80, v3, vm0, $0xb8;
	[tilespmem:$0x18400] =	vst v63  }
0x19e: {  	_ =	swait.ge [sflag:s20], $0x6000  }
0x19f: {  	s17 =	rddreg [dreg:$0x7];
	[sflag:s20] =	ssyncset.done $0x0  }
0x1a0: {  	s31 =	simm.s32 $0xC400;
	[sflag:s20] =	ssyncadd.s32 $0xFFFFA000;
	s28 =	sadd.s32 s26, s17  }
0x1a1: {  	[hbm4b:s28+s3] =	stream.linear.scatter [tilespmem:s31], [sflag:$0x7], $0x6000, $0x38;
	[tilespmem:$0x18400] =	vst v63  }
0x1a2: {  	_ =	swait.ge [sflag:s21], $0x6000  }
0x1a3: {  	[sflag:s21] =	ssyncset.done $0x0  }
0x1a4: {  	[sflag:s21] =	ssyncadd.s32 $0xFFFFA000  }
0x1a5: {  	v3 =	vld [tilespmem:s25+$0xFFFFFFD0];
	_ =	sdelay $0x4  }
0x1a6: {  	v60 =	vshrl.u32 v3, $0x3  }
0x1a7: {  	v4 =	vmul.u32 $0x30, v60  }
0x1a8: {  	v3 =	vand.u32 $0x7, v3  }
0x1a9: {  	v3 =	vor.u32 v3, v4  }
0x1aa: {  	v4 =	vperm.xlane v3, v0;
	_ =	sdelay $0x1  }
0x1ab: {  	v4 =	vadd.s32 v1, v4;
	_ =	sdelay $0x3  }
0x1ac: {  	v3 =	vperm.xlane v3, v2  }
0x1ad: {  	[tilespmem:s10], [sflag:$0x2] =	stream.indirect_vreg.gather [hbm4b:s1+s3], $0x80, v4, vm0, $0xb8;
	[tilespmem:$0x18400] =	vst v63  }
0x1ae: {  	s28 =	simm.s32 $0x6C00;
	v3 =	vadd.s32 v1, v3  }
0x1af: {  	[tilespmem:s28], [sflag:$0x2] =	stream.indirect_vreg.gather [hbm4b:s5+s3], $0x80, v4, vm0, $0xb8;
	[tilespmem:$0x18400] =	vst v63  }
0x1b0: {  	s28 =	simm.s32 $0x7400  }
0x1b1: {  	[tilespmem:s28], [sflag:$0x2] =	stream.indirect_vreg.gather [hbm4b:s6+s3], $0x80, v4, vm0, $0xb8;
	[tilespmem:$0x18400] =	vst v63  }
0x1b2: {  	s28 =	simm.s32 $0x7C00  }
0x1b3: {  	[tilespmem:s28], [sflag:$0x2] =	stream.indirect_vreg.gather [hbm4b:s1+s3], $0x80, v3, vm0, $0xb8;
	[tilespmem:$0x18400] =	vst v63  }
0x1b4: {  	s28 =	simm.s32 $0x8400  }
0x1b5: {  	[tilespmem:s28], [sflag:$0x2] =	stream.indirect_vreg.gather [hbm4b:s5+s3], $0x80, v3, vm0, $0xb8;
	[tilespmem:$0x18400] =	vst v63  }
0x1b6: {  	s28 =	simm.s32 $0x8C00  }
0x1b7: {  	[tilespmem:s28], [sflag:$0x2] =	stream.indirect_vreg.gather [hbm4b:s6+s3], $0x80, v3, vm0, $0xb8;
	[tilespmem:$0x18400] =	vst v63  }
0x1b8: {  	v3 =	vld [tilespmem:s25+$0xFFFFFFE0];
	_ =	sdelay $0x4  }
0x1b9: {  	v61 =	vshrl.u32 v3, $0x3  }
0x1ba: {  	v4 =	vmul.u32 $0x30, v61  }
0x1bb: {  	v3 =	vand.u32 $0x7, v3  }
0x1bc: {  	v3 =	vor.u32 v3, v4  }
0x1bd: {  	v4 =	vperm.xlane v3, v0;
	_ =	sdelay $0x1  }
0x1be: {  	v4 =	vadd.s32 v1, v4;
	_ =	sdelay $0x3  }
0x1bf: {  	s28 =	simm.s32 $0x9400;
	v3 =	vperm.xlane v3, v2  }
0x1c0: {  	[tilespmem:s28], [sflag:$0x2] =	stream.indirect_vreg.gather [hbm4b:s1+s3], $0x80, v4, vm0, $0xb8;
	[tilespmem:$0x18400] =	vst v63  }
0x1c1: {  	v3 =	vadd.s32 v1, v3;
	s28 =	simm.s32 $0x9C00  }
0x1c2: {  	[tilespmem:s28], [sflag:$0x2] =	stream.indirect_vreg.gather [hbm4b:s5+s3], $0x80, v4, vm0, $0xb8;
	[tilespmem:$0x18400] =	vst v63  }
0x1c3: {  	s28 =	simm.s32 $0xA400  }
0x1c4: {  	[tilespmem:s28], [sflag:$0x2] =	stream.indirect_vreg.gather [hbm4b:s6+s3], $0x80, v4, vm0, $0xb8;
	[tilespmem:$0x18400] =	vst v63  }
0x1c5: {  	s28 =	simm.s32 $0xAC00  }
0x1c6: {  	[tilespmem:s28], [sflag:$0x2] =	stream.indirect_vreg.gather [hbm4b:s1+s3], $0x80, v3, vm0, $0xb8;
	[tilespmem:$0x18400] =	vst v63  }
0x1c7: {  	s28 =	simm.s32 $0xB400  }
0x1c8: {  	[tilespmem:s28], [sflag:$0x2] =	stream.indirect_vreg.gather [hbm4b:s5+s3], $0x80, v3, vm0, $0xb8;
	[tilespmem:$0x18400] =	vst v63  }
0x1c9: {  	s28 =	simm.s32 $0xBC00  }
0x1ca: {  	[tilespmem:s28], [sflag:$0x2] =	stream.indirect_vreg.gather [hbm4b:s6+s3], $0x80, v3, vm0, $0xb8;
	[tilespmem:$0x18400] =	vst v63  }
0x1cb: {  	_ =	swait.ge [sflag:s22], $0x6000  }
0x1cc: {  	s10 =	rddreg [dreg:$0x4];
	[sflag:s22] =	ssyncset.done $0x0  }
0x1cd: {  	[sflag:s22] =	ssyncadd.s32 $0xFFFFA000;
	s28 =	sadd.s32 s26, s10  }
0x1ce: {  	[hbm4b:s28+s3] =	stream.linear.scatter [tilespmem:s11], [sflag:$0x8], $0x6000, $0x38;
	[tilespmem:$0x18400] =	vst v63  }
0x1cf: {  	_ =	swait.ge [sflag:s23], $0x6000  }
0x1d0: {  	[sflag:s23] =	ssyncset.done $0x0  }
0x1d1: {  	[sflag:s23] =	ssyncadd.s32 $0xFFFFA000  }
0x1d2: {  	v3 =	vld [tilespmem:s25+$0xFFFFFFF0];
	_ =	sdelay $0x4  }
0x1d3: {  	v62 =	vshrl.u32 v3, $0x3  }
0x1d4: {  	v4 =	vmul.u32 $0x30, v62  }
0x1d5: {  	v3 =	vand.u32 $0x7, v3  }
0x1d6: {  	v3 =	vor.u32 v3, v4  }
0x1d7: {  	v4 =	vperm.xlane v3, v0;
	_ =	sdelay $0x1  }
0x1d8: {  	v4 =	vadd.s32 v1, v4;
	_ =	sdelay $0x3  }
0x1d9: {  	v3 =	vperm.xlane v3, v2  }
0x1da: {  	[tilespmem:s31], [sflag:$0x3] =	stream.indirect_vreg.gather [hbm4b:s1+s3], $0x80, v4, vm0, $0xb8;
	[tilespmem:$0x18400] =	vst v63  }
0x1db: {  	v3 =	vadd.s32 v1, v3  }
0x1dc: {  	[tilespmem:s15], [sflag:$0x3] =	stream.indirect_vreg.gather [hbm4b:s5+s3], $0x80, v4, vm0, $0xb8;
	[tilespmem:$0x18400] =	vst v63  }
0x1dd: {  	_ = 	snop  }
0x1de: {  	[tilespmem:s12], [sflag:$0x3] =	stream.indirect_vreg.gather [hbm4b:s6+s3], $0x80, v4, vm0, $0xb8;
	[tilespmem:$0x18400] =	vst v63  }
0x1df: {  	_ = 	snop  }
0x1e0: {  	[tilespmem:s13], [sflag:$0x3] =	stream.indirect_vreg.gather [hbm4b:s1+s3], $0x80, v3, vm0, $0xb8;
	[tilespmem:$0x18400] =	vst v63  }
0x1e1: {  	_ = 	snop  }
0x1e2: {  	[tilespmem:s14], [sflag:$0x3] =	stream.indirect_vreg.gather [hbm4b:s5+s3], $0x80, v3, vm0, $0xb8;
	[tilespmem:$0x18400] =	vst v63  }
0x1e3: {  	_ = 	snop  }
0x1e4: {  	[tilespmem:s29], [sflag:$0x3] =	stream.indirect_vreg.gather [hbm4b:s6+s3], $0x80, v3, vm0, $0xb8;
	[tilespmem:$0x18400] =	vst v63  }
0x1e5: {  	v3 =	vld [tilespmem:s25+$0x0];
	_ =	sdelay $0x4  }
0x1e6: {  	v63 =	vshrl.u32 v3, $0x3  }
0x1e7: {  	v4 =	vmul.u32 $0x30, v63  }
0x1e8: {  	v3 =	vand.u32 $0x7, v3  }
0x1e9: {  	v3 =	vor.u32 v3, v4  }
0x1ea: {  	v4 =	vperm.xlane v3, v0;
	_ =	sdelay $0x1  }
0x1eb: {  	v4 =	vadd.s32 v1, v4;
	_ =	sdelay $0x3  }
0x1ec: {  	v3 =	vperm.xlane v3, v2  }
0x1ed: {  	[tilespmem:s2], [sflag:$0x3] =	stream.indirect_vreg.gather [hbm4b:s1+s3], $0x80, v4, vm0, $0xb8;
	[tilespmem:$0x18400] =	vst v63  }
0x1ee: {  	v3 =	vadd.s32 v1, v3  }
0x1ef: {  	[tilespmem:s19], [sflag:$0x3] =	stream.indirect_vreg.gather [hbm4b:s5+s3], $0x80, v4, vm0, $0xb8;
	[tilespmem:$0x18400] =	vst v63  }
0x1f0: {  	_ = 	snop  }
0x1f1: {  	[tilespmem:s4], [sflag:$0x3] =	stream.indirect_vreg.gather [hbm4b:s6+s3], $0x80, v4, vm0, $0xb8;
	[tilespmem:$0x18400] =	vst v63  }
0x1f2: {  	p0 =	sne.s32 s26, $0xF000  }
0x1f3: {  	[tilespmem:s8], [sflag:$0x3] =	stream.indirect_vreg.gather [hbm4b:s1+s3], $0x80, v3, vm0, $0xb8;
	[tilespmem:$0x18400] =	vst v63  }
.Ltmp0:
0x1f4: {  	_ = 	snop;
	(pc) =	sbr.rel @p0 .LBB2_2-.Ltmp0, $4  }
0x1f5: {  	s16 =	simm.s32 $0x400;
	s17 =	simm.s32 $0x6400  }
0x1f6: {  	[tilespmem:s9], [sflag:$0x3] =	stream.indirect_vreg.gather [hbm4b:s5+s3], $0x80, v3, vm0, $0xb8;
	[tilespmem:$0x18400] =	vst v63  }
0x1f7: {  	s10 =	simm.s32 $0xC400;
	s26 =	sadd.s32 $0x3000, s26;
	s25 =	sadd.s32 $0x80, s25  }
0x1f8: {  	[tilespmem:s0], [sflag:$0x3] =	stream.indirect_vreg.gather [hbm4b:s6+s3], $0x80, v3, vm0, $0xb8;
	[tilespmem:$0x18400] =	vst v63  }
0x1f9: {  	_ =	swait.ge [sflag:s30], $0x6000  }
0x1fa: {  	[sflag:s30] =	ssyncset.done $0x0  }
0x1fb: {  	s25 =	rddreg [dreg:$0xd];
	[sflag:s30] =	ssyncadd.s32 $0xFFFFA000  }
0x1fc: {  	[hbm4b:s25+s3] =	stream.linear.scatter [tilespmem:s16], [sflag:$0x5], $0x6000, $0x38;
	[tilespmem:$0x18400] =	vst v63  }
0x1fd: {  	_ =	swait.ge [sflag:s24], $0x6000  }
0x1fe: {  	[sflag:s24] =	ssyncset.done $0x0  }
0x1ff: {  	[sflag:s24] =	ssyncadd.s32 $0xFFFFA000  }
0x200: {  	v3 =	vld [tilespmem:$0x3E0];
	_ =	sdelay $0x4  }
0x201: {  	v4 =	vshrl.u32 v3, $0x3  }
0x202: {  	v4 =	vmul.u32 $0x30, v4  }
0x203: {  	v3 =	vand.u32 $0x7, v3  }
0x204: {  	v3 =	vor.u32 v3, v4  }
0x205: {  	v4 =	vperm.xlane v3, v0;
	_ =	sdelay $0x1  }
0x206: {  	v4 =	vadd.s32 v1, v4;
	_ =	sdelay $0x3  }
0x207: {  	s0 =	simm.s32 $0x12400;
	v3 =	vperm.xlane v3, v2  }
0x208: {  	[tilespmem:s0], [sflag:$0x4] =	stream.indirect_vreg.gather [hbm4b:s1+s3], $0x80, v4, vm0, $0xb8;
	[tilespmem:$0x18400] =	vst v63  }
0x209: {  	s2 =	simm.s32 $0x12C00;
	v3 =	vadd.s32 v1, v3  }
0x20a: {  	[tilespmem:s2], [sflag:$0x4] =	stream.indirect_vreg.gather [hbm4b:s5+s3], $0x80, v4, vm0, $0xb8;
	[tilespmem:$0x18400] =	vst v63  }
0x20b: {  	s31 =	simm.s32 $0x13400  }
0x20c: {  	[tilespmem:s31], [sflag:$0x4] =	stream.indirect_vreg.gather [hbm4b:s6+s3], $0x80, v4, vm0, $0xb8;
	[tilespmem:$0x18400] =	vst v63  }
0x20d: {  	s4 =	simm.s32 $0x13C00  }
0x20e: {  	[tilespmem:s4], [sflag:$0x4] =	stream.indirect_vreg.gather [hbm4b:s1+s3], $0x80, v3, vm0, $0xb8;
	[tilespmem:$0x18400] =	vst v63  }
0x20f: {  	s8 =	simm.s32 $0x14400  }
0x210: {  	[tilespmem:s8], [sflag:$0x4] =	stream.indirect_vreg.gather [hbm4b:s5+s3], $0x80, v3, vm0, $0xb8;
	[tilespmem:$0x18400] =	vst v63  }
0x211: {  	s9 =	simm.s32 $0x14C00  }
0x212: {  	[tilespmem:s9], [sflag:$0x4] =	stream.indirect_vreg.gather [hbm4b:s6+s3], $0x80, v3, vm0, $0xb8;
	[tilespmem:$0x18400] =	vst v63  }
0x213: {  	v3 =	vld [tilespmem:$0x3F0];
	_ =	sdelay $0x4  }
0x214: {  	v63 =	vshrl.u32 v3, $0x3  }
0x215: {  	v4 =	vmul.u32 $0x30, v63  }
0x216: {  	v3 =	vand.u32 $0x7, v3  }
0x217: {  	v3 =	vor.u32 v3, v4  }
0x218: {  	v4 =	vperm.xlane v3, v0;
	_ =	sdelay $0x1  }
0x219: {  	v4 =	vadd.s32 v1, v4;
	_ =	sdelay $0x3  }
0x21a: {  	s11 =	simm.s32 $0x15400;
	v3 =	vperm.xlane v3, v2  }
0x21b: {  	[tilespmem:s11], [sflag:$0x4] =	stream.indirect_vreg.gather [hbm4b:s1+s3], $0x80, v4, vm0, $0xb8;
	[tilespmem:$0x18400] =	vst v63  }
0x21c: {  	s12 =	simm.s32 $0x15C00;
	v3 =	vadd.s32 v1, v3  }
0x21d: {  	[tilespmem:s12], [sflag:$0x4] =	stream.indirect_vreg.gather [hbm4b:s5+s3], $0x80, v4, vm0, $0xb8;
	[tilespmem:$0x18400] =	vst v63  }
0x21e: {  	s13 =	simm.s32 $0x16400  }
0x21f: {  	[tilespmem:s13], [sflag:$0x4] =	stream.indirect_vreg.gather [hbm4b:s6+s3], $0x80, v4, vm0, $0xb8;
	[tilespmem:$0x18400] =	vst v63  }
0x220: {  	s14 =	simm.s32 $0x16C00  }
0x221: {  	[tilespmem:s14], [sflag:$0x4] =	stream.indirect_vreg.gather [hbm4b:s1+s3], $0x80, v3, vm0, $0xb8;
	[tilespmem:$0x18400] =	vst v63  }
0x222: {  	s15 =	simm.s32 $0x17400  }
0x223: {  	[tilespmem:s15], [sflag:$0x4] =	stream.indirect_vreg.gather [hbm4b:s5+s3], $0x80, v3, vm0, $0xb8;
	[tilespmem:$0x18400] =	vst v63  }
0x224: {  	s16 =	simm.s32 $0x17C00  }
0x225: {  	[tilespmem:s16], [sflag:$0x4] =	stream.indirect_vreg.gather [hbm4b:s6+s3], $0x80, v3, vm0, $0xb8;
	[tilespmem:$0x18400] =	vst v63  }
0x226: {  	_ =	swait.ge [sflag:s7], $0x6000  }
0x227: {  	[sflag:s7] =	ssyncset.done $0x0  }
0x228: {  	s19 =	rddreg [dreg:$0xe];
	[sflag:s7] =	ssyncadd.s32 $0xFFFFA000  }
0x229: {  	[hbm4b:s19+s3] =	stream.linear.scatter [tilespmem:s17], [sflag:$0x6], $0x6000, $0x38;
	[tilespmem:$0x18400] =	vst v63  }
0x22a: {  	_ =	swait.ge [sflag:s18], $0x6000  }
0x22b: {  	[sflag:s18] =	ssyncset.done $0x0  }
0x22c: {  	[sflag:s18] =	ssyncadd.s32 $0xFFFFA000  }
0x22d: {  	_ =	swait.ge [sflag:s20], $0x6000  }
0x22e: {  	[sflag:s20] =	ssyncset.done $0x0  }
0x22f: {  	s26 =	rddreg [dreg:$0xf];
	[sflag:s20] =	ssyncadd.s32 $0xFFFFA000  }
0x230: {  	[hbm4b:s26+s3] =	stream.linear.scatter [tilespmem:s10], [sflag:$0x7], $0x6000, $0x38;
	[tilespmem:$0x18400] =	vst v63  }
0x231: {  	_ =	swait.ge [sflag:s21], $0x6000  }
0x232: {  	[sflag:s21] =	ssyncset.done $0x0  }
0x233: {  	[sflag:s21] =	ssyncadd.s32 $0xFFFFA000  }
0x234: {  	_ =	swait.ge [sflag:s22], $0x6000  }
0x235: {  	[sflag:s22] =	ssyncset.done $0x0  }
0x236: {  	s28 =	rddreg [dreg:$0x10];
	[sflag:s22] =	ssyncadd.s32 $0xFFFFA000  }
0x237: {  	[hbm4b:s28+s3] =	stream.linear.scatter [tilespmem:s0], [sflag:$0x8], $0x6000, $0x38;
	[tilespmem:$0x18400] =	vst v63  }
0x238: {  	_ =	swait.ge [sflag:s23], $0x6000  }
0x239: {  	[sflag:s23] =	ssyncset.done $0x0  }
0x23a: {  	[sflag:s23] =	ssyncadd.s32 $0xFFFFA000  }
0x23b: {  	_ =	swait.ge [sflag:s24], $0x6000  }
0x23c: {  	s29 =	rddreg [dreg:$0x12]  }
0x23d: {  	s31 =	rddreg [dreg:$0x11];
	s2 =	sadd.s32 $0x1, s29  }
0x23e: {  	p0 =	sne.s32 s2, s31  }
.Ltmp1:
0x23f: {  	_ = 	snop;
	(pc) =	sbr.rel @p0 .LBB2_1-.Ltmp1, $3  }
0x240: {  	_ =	sdelay $0x1  }
0x241: {  	[sflag:s24] =	ssyncset.done $0x0  }
0x242: {  	[sflag:s24] =	ssyncadd.s32 $0xFFFFA000  }
0x243: {  	_ =	sfence.sel $0x180000  }
0x244: {  	[bflag:$0x0] =	sbarrier.arrive $0xFFFF  }
0x245: {  	_ =	strace $0x90000047  }
0x246: {  	s0 =	stileid.u32;
	[bflag:$0x2] =	sbarrier.arrive $0xFFFF  }
0x247: {  	p0 =	sne.s32 s0, $0x0;
	s0 =	rddreg [dreg:$0x3]  }
0x248: {  	s0 =	sadd.s32 @!p0 $0x100000, s0  }
0x249: {  	[sflag:s0] =	ssyncadd.tile.s32 @!p0 $0x1;
	_ =	shalt  }
.Lfunc_end2:
_tile_overlayer_lowered:
.L_overlay_start_2:
0x24a: {  	(tag) =	ssettag $0x2  }
0x24b: {  	s0 =	rddreg [dreg:$0x0];
	s2 =	stileid.u32  }
0x24c: {  	s1 =	rddreg [dreg:$0x1];
	p0 =	sne.s32 s2, $0x0  }
0x24d: {  	s3 =	rddreg [dreg:$0x2];
	[bflag:$0x3] =	sbarrier.arrive $0xFFFF;
	s2 =	simm.s32 @!p0 $0x1C09  }
0x24e: {  	[timem:s3], [sflag:s2] =	dma.local @!p0 [hbm:s0], s1  }
0x24f: {  	s0 =	simm.s32 @!p0 $0x9  }
0x250: {  	_ =	swait.ge @!p0 [sflag:s0], s1  }
0x251: {  	s1 =	ssub.s32 @!p0 $0x0, s1;
	[sflag:s0] =	ssyncset.done @!p0 $0x0  }
0x252: {  	[sflag:s0] =	ssyncadd.s32 @!p0 s1  }
0x253: {  	[bflag:$0x3] =	sbarrier.arrive $0xFFFF  }
0x254: {  	_ =	shalt  }

</sc_bundles>
